<compile_context>
chip_gen: v7x
topology: tpu7x:2x2x1
jax: 0.10.2.dev20260603
libtpu: 0.0.44.dev20260713+nightly
codegen_flags: <defaults>
</compile_context>

<pallas_src>
import jax
import jax.numpy as jnp
from jax import lax
from jax.experimental import pallas as pl
from jax.experimental.pallas import tpu as pltpu
from jax.experimental.pallas import tpu_sc as plsc

NUM_WORDS = 100000
EMBED_DIM = 300

NC = 2
NS = 16
NW = NC * NS

B = 4096
L = 50
LP = 56
PER_W = B // NW
RING = 4
STEPS = PER_W // RING
TAIL = EMBED_DIM - 256


def _gather_body(table_hbm, tail_hbm, idx_hbm, out_hbm, idx_all,
                 rows0, rows1, rows2, rows3, b20, b21, b22, b23,
                 gs0, gs1, gs2, gs3, ws0, ws1, ws2, ws3):
    rows = (rows0, rows1, rows2, rows3)
    b2s = (b20, b21, b22, b23)
    gsems = (gs0, gs1, gs2, gs3)
    wsems = (ws0, ws1, ws2, ws3)

    wid = lax.axis_index("s") * NC + lax.axis_index("c")
    base = wid * PER_W
    lanes = lax.iota(jnp.int32, 16)
    tail_mask = lanes < (TAIL - 32)

    pltpu.sync_copy(idx_hbm.at[pl.ds(pl.multiple_of(base * LP, 8), PER_W * LP)],
                    idx_all)

    def row_fix(rows_v, b2):
        def fix(j, c):
            jv = jnp.full((16,), j, jnp.int32)
            v0 = b2[j, pl.ds(0, 16)]
            v1 = b2[j, pl.ds(16, 16)]
            v2 = b2[j, pl.ds(32, 16)]
            plsc.store_scatter(rows_v, [jv, lanes + 256], v0)
            plsc.store_scatter(rows_v, [jv, lanes + 272], v1)
            plsc.store_scatter(rows_v, [jv, lanes + 288], v2, mask=tail_mask)
            return c

        lax.fori_loop(0, L, fix, 0)

    def step(t, carry):
        handles = []
        for i in range(RING):
            @pl.when(t > 0)
            def _(i=i):
                pltpu.make_async_copy(rows[i], out_hbm.at[0], wsems[i]).wait()

            iv = idx_all.at[pl.ds((t * RING + i) * LP, L)]
            c0 = pltpu.async_copy(
                table_hbm.at[iv, pl.ds(0, 128)],
                rows[i].at[:, pl.ds(0, 128)], gsems[i])
            c1 = pltpu.async_copy(
                table_hbm.at[iv, pl.ds(128, 128)],
                rows[i].at[:, pl.ds(128, 128)], gsems[i])
            c2 = pltpu.async_copy(tail_hbm.at[iv], b2s[i], gsems[i])
            handles.append((c0, c1, c2))
        for i in range(RING):
            c0, c1, c2 = handles[i]
            c0.wait()
            c1.wait()
            c2.wait()
            row_fix(rows[i], b2s[i])
            pltpu.async_copy(rows[i], out_hbm.at[base + t * RING + i], wsems[i])
        return carry

    lax.fori_loop(0, STEPS, step, 0)
    for i in range(RING):
        pltpu.make_async_copy(rows[i], out_hbm.at[0], wsems[i]).wait()


_gather = pl.kernel(
    _gather_body,
    out_type=jax.ShapeDtypeStruct((B, L, EMBED_DIM), jnp.float32),
    mesh=plsc.VectorSubcoreMesh(
        core_axis_name="c", subcore_axis_name="s", num_cores=NC, num_subcores=NS
    ),
    scratch_types=(
        [pltpu.VMEM((PER_W * LP,), jnp.int32)]
        + [pltpu.VMEM((L, EMBED_DIM), jnp.float32)] * RING
        + [pltpu.VMEM((L, 128), jnp.float32)] * RING
        + [pltpu.SemaphoreType.DMA] * (2 * RING)
    ),
    compiler_params=pltpu.CompilerParams(needs_layout_passes=False),
)

_TAIL_RB = 4000


def _tail_copy_body(t_ref, o_ref):
    o_ref[...] = t_ref[...]


_tail_copy = pl.pallas_call(
    _tail_copy_body,
    grid=(NUM_WORDS // _TAIL_RB,),
    in_specs=[pl.BlockSpec((_TAIL_RB, 128), lambda i: (i, 2))],
    out_specs=pl.BlockSpec((_TAIL_RB, 128), lambda i: (i, 0)),
    out_shape=jax.ShapeDtypeStruct((NUM_WORDS, 128), jnp.float32),
)


@jax.jit
def kernel(x, table):
    idx = jnp.pad(x.astype(jnp.int32), ((0, 0), (0, LP - L))).reshape(-1)
    tail = _tail_copy(table)
    return _gather(table, tail, idx)

# --- scband reference (transcript-rebuilt; emitter-appended) ---
"""Pipeline reference for scband-embedding-layer-4011499454923 (READ-ONLY COPY).

The authoritative reference and input builder live on the scoring server;
editing this copy changes nothing except your own understanding.
"""

import jax, jax.numpy as jnp
import numpy as np

NUM_WORDS = 100000
EMBED_DIM = 300

def setup_inputs(seed: int = 0) -> dict:
    key = jax.random.key(seed)
    k1, k2 = jax.random.split(key)
    x = jax.random.randint(k1, (4096, 50), 0, NUM_WORDS, dtype=jnp.int64)
    table = jax.random.normal(k2, (NUM_WORDS, EMBED_DIM), dtype=jnp.float32)
    # padding_idx=0: nn.Embedding zeros out row 0 at init
    table = table.at[0].set(0.0)
    return {"x": x, "table": table}

def reference(x, table):
    # eval mode: no gaussian noise, Dropout2d is identity
    embedding = jnp.take(table, x, axis=0)  # [B, L, 300]
    # dropout1d permutes then permutes back; identity in eval
    return embedding

if __name__ == "__main__":
    import jax
    _d = setup_inputs()
    print(jax.jit(kernel)(*tuple(_d.values())))

</pallas_src>

<mosaic_0001>
#map = affine_map<(d0, d1) -> (0, 0)>
#map1 = affine_map<(d0, d1) -> (0)>
#map2 = affine_map<(d0, d1) -> (0, 0, 0)>
module attributes {stable_mosaic.version = 14 : i64} {
  func.func @_gather_body(%arg0: i32, %arg1: i32, %arg2: memref<100000x300xf32, #tpu.memory_space<hbm>>, %arg3: memref<100000x128xf32, #tpu.memory_space<hbm>>, %arg4: memref<229376xi32, #tpu.memory_space<hbm>>, %arg5: memref<4096x50x300xf32, #tpu.memory_space<hbm>>, %arg6: memref<7168xi32, #tpu.memory_space<vmem>>, %arg7: memref<50x300xf32, #tpu.memory_space<vmem>>, %arg8: memref<50x300xf32, #tpu.memory_space<vmem>>, %arg9: memref<50x300xf32, #tpu.memory_space<vmem>>, %arg10: memref<50x300xf32, #tpu.memory_space<vmem>>, %arg11: memref<50x128xf32, #tpu.memory_space<vmem>>, %arg12: memref<50x128xf32, #tpu.memory_space<vmem>>, %arg13: memref<50x128xf32, #tpu.memory_space<vmem>>, %arg14: memref<50x128xf32, #tpu.memory_space<vmem>>, %arg15: memref<!tpu.dma_semaphore, #tpu.memory_space<semaphore_mem>>, %arg16: memref<!tpu.dma_semaphore, #tpu.memory_space<semaphore_mem>>, %arg17: memref<!tpu.dma_semaphore, #tpu.memory_space<semaphore_mem>>, %arg18: memref<!tpu.dma_semaphore, #tpu.memory_space<semaphore_mem>>, %arg19: memref<!tpu.dma_semaphore, #tpu.memory_space<semaphore_mem>>, %arg20: memref<!tpu.dma_semaphore, #tpu.memory_space<semaphore_mem>>, %arg21: memref<!tpu.dma_semaphore, #tpu.memory_space<semaphore_mem>>, %arg22: memref<!tpu.dma_semaphore, #tpu.memory_space<semaphore_mem>>) attributes {dimension_semantics = [#tpu.dimension_semantics<core_parallel>, #tpu.dimension_semantics<subcore_parallel>], iteration_bounds = array<i64: 2, 16>, scalar_prefetch = 0 : i64, scratch_operands = 17 : i64, tpu.core_type = #tpu.core_type<sc_vector_subcore>, window_params = [{transform_indices = #map}, {transform_indices = #map}, {transform_indices = #map1}, {transform_indices = #map2}]} {
    %mul3A = arith.constant 2 : i32
    %mul3A_0 = arith.muli %arg1, %mul3A : i32
    %add3A = arith.addi %mul3A_0, %arg0 : i32
    %mul3A_1 = arith.constant 128 : i32
    %mul3A_2 = arith.muli %add3A, %mul3A_1 : i32
    %iota3A = tpu.iota {dimensions = array<i32: 0>} : vector<16xi32>
    %lt3A = arith.constant 12 : i32
    %lt3A_3 = vector.broadcast %lt3A : i32 to vector<16xi32>
    %lt3A_4 = arith.cmpi slt, %iota3A, %lt3A_3 : vector<16xi32>
    %mul3A_5 = arith.constant 56 : i32
    %mul3A_6 = arith.muli %mul3A_2, %mul3A_5 : i32
    %multiple_of3A = tpu.assume_multiple %mul3A_6, 8 : i32
    "tpu.region"() ({
      %run_scoped3A = tpu.sem_alloc : memref<!tpu.dma_semaphore, #tpu.memory_space<semaphore_mem>>
      %dma_start3A = tpu.memref_slice %arg4[%multiple_of3A] : memref<229376xi32, #tpu.memory_space<hbm>> -> memref<7168xi32, #tpu.memory_space<hbm>>
      %dma_start3A_47 = tpu.memref_slice %arg4[%multiple_of3A] : memref<229376xi32, #tpu.memory_space<hbm>> -> memref<7168xi32, #tpu.memory_space<hbm>>
      tpu.enqueue_dma source(%dma_start3A_47 : memref<7168xi32, #tpu.memory_space<hbm>>) target(%arg6 : memref<7168xi32, #tpu.memory_space<vmem>>) target_semaphore(%run_scoped3A : memref<!tpu.dma_semaphore, #tpu.memory_space<semaphore_mem>>)
      %dma_wait3A_48 = tpu.memref_slice %arg4[%multiple_of3A] : memref<229376xi32, #tpu.memory_space<hbm>> -> memref<7168xi32, #tpu.memory_space<hbm>>
      %dma_wait3A_49 = tpu.memref_slice %arg4[%multiple_of3A] : memref<229376xi32, #tpu.memory_space<hbm>> -> memref<7168xi32, #tpu.memory_space<hbm>>
      tpu.wait_dma2 semaphore(%run_scoped3A : memref<!tpu.dma_semaphore, #tpu.memory_space<semaphore_mem>>) src(%dma_wait3A_49 : memref<7168xi32, #tpu.memory_space<hbm>>) dst(%arg6 : memref<7168xi32, #tpu.memory_space<vmem>>)
      tpu.yield
    }) : () -> ()
    %scan3A = arith.constant 0 : i32
    %scan3A_7 = arith.constant 0 : i32
    %scan3A_8 = arith.constant 32 : i32
    %scan3A_9 = arith.addi %scan3A_7, %scan3A_8 : i32
    %scan3A_10 = arith.constant 1 : i32
    scf.for %scan3A_47 = %scan3A_7 to %scan3A_9 step %scan3A_10  : i32 {
      %gt3A = arith.constant 0 : i32
      %gt3A_48 = arith.cmpi sgt, %scan3A_47, %gt3A : i32
      %convert_element_type3A = arith.extui %gt3A_48 : i1 to i32
      %cond3A = arith.constant 0 : i32
      %cond3A_49 = arith.cmpi ne, %convert_element_type3A, %cond3A : i32
      scf.if %cond3A_49 {
        %dma_wait3A_308 = arith.constant 0 : i32
        %dma_wait3A_309 = arith.constant 0 : i32
        %dma_wait3A_310 = arith.constant 0 : i32
        %dma_wait3A_311 = tpu.memref_slice %arg5[%dma_wait3A_308, %dma_wait3A_309, %dma_wait3A_310] : memref<4096x50x300xf32, #tpu.memory_space<hbm>> -> memref<1x50x300xf32, #tpu.memory_space<hbm>>
        %dma_wait3A_312 = tpu.memref_squeeze %dma_wait3A_311 : memref<1x50x300xf32, #tpu.memory_space<hbm>> -> memref<50x300xf32, #tpu.memory_space<hbm>>
        %dma_wait3A_313 = arith.constant 0 : i32
        %dma_wait3A_314 = arith.constant 0 : i32
        %dma_wait3A_315 = tpu.memref_slice %arg5[%dma_wait3A_308, %dma_wait3A_313, %dma_wait3A_314] : memref<4096x50x300xf32, #tpu.memory_space<hbm>> -> memref<1x50x300xf32, #tpu.memory_space<hbm>>
        %dma_wait3A_316 = tpu.memref_squeeze %dma_wait3A_315 : memref<1x50x300xf32, #tpu.memory_space<hbm>> -> memref<50x300xf32, #tpu.memory_space<hbm>>
        tpu.wait_dma2 semaphore(%arg19 : memref<!tpu.dma_semaphore, #tpu.memory_space<semaphore_mem>>) src(%arg7 : memref<50x300xf32, #tpu.memory_space<vmem>>) dst(%dma_wait3A_316 : memref<50x300xf32, #tpu.memory_space<hbm>>)
      } else {
      }
      %mul3A_50 = arith.constant 4 : i32
      %mul3A_51 = arith.muli %scan3A_47, %mul3A_50 : i32
      %add3A_52 = arith.constant 0 : i32
      %add3A_53 = arith.addi %mul3A_51, %add3A_52 : i32
      %mul3A_54 = arith.constant 56 : i32
      %mul3A_55 = arith.muli %add3A_53, %mul3A_54 : i32
      %dma_start3A = arith.constant 0 : i32
      %dma_start3A_56 = arith.constant 0 : i32
      %dma_start3A_57 = tpu.memref_slice %arg7[%dma_start3A, %dma_start3A_56] : memref<50x300xf32, #tpu.memory_space<vmem>> -> memref<50x128xf32, #tpu.memory_space<vmem>>
      %dma_start3A_58 = tpu.memref_slice %arg6[%mul3A_55] : memref<7168xi32, #tpu.memory_space<vmem>> -> memref<50xi32, #tpu.memory_space<vmem>>
      %dma_start3A_59 = arith.constant 0 : i32
      %dma_start3A_60 = arith.constant 0 : i32
      %dma_start3A_61 = tpu.memref_slice %arg2[%dma_start3A_59, %dma_start3A_60] : memref<100000x300xf32, #tpu.memory_space<hbm>> -> memref<100000x128xf32, #tpu.memory_space<hbm>>
      tpu.enqueue_indirect_dma source(%dma_start3A_61 : memref<100000x128xf32, #tpu.memory_space<hbm>>) target(%dma_start3A_57 : memref<50x128xf32, #tpu.memory_space<vmem>>) offsets(%dma_start3A_58 : memref<50xi32, #tpu.memory_space<vmem>>) semaphore(%arg15 : memref<!tpu.dma_semaphore, #tpu.memory_space<semaphore_mem>>)
      %dma_start3A_62 = arith.constant 0 : i32
      %dma_start3A_63 = arith.constant 128 : i32
      %dma_start3A_64 = tpu.memref_slice %arg7[%dma_start3A_62, %dma_start3A_63] : memref<50x300xf32, #tpu.memory_space<vmem>> -> memref<50x128xf32, #tpu.memory_space<vmem>>
      %dma_start3A_65 = tpu.memref_slice %arg6[%mul3A_55] : memref<7168xi32, #tpu.memory_space<vmem>> -> memref<50xi32, #tpu.memory_space<vmem>>
      %dma_start3A_66 = arith.constant 0 : i32
      %dma_start3A_67 = arith.constant 128 : i32
      %dma_start3A_68 = tpu.memref_slice %arg2[%dma_start3A_66, %dma_start3A_67] : memref<100000x300xf32, #tpu.memory_space<hbm>> -> memref<100000x128xf32, #tpu.memory_space<hbm>>
      tpu.enqueue_indirect_dma source(%dma_start3A_68 : memref<100000x128xf32, #tpu.memory_space<hbm>>) target(%dma_start3A_64 : memref<50x128xf32, #tpu.memory_space<vmem>>) offsets(%dma_start3A_65 : memref<50xi32, #tpu.memory_space<vmem>>) semaphore(%arg15 : memref<!tpu.dma_semaphore, #tpu.memory_space<semaphore_mem>>)
      %dma_start3A_69 = tpu.memref_slice %arg6[%mul3A_55] : memref<7168xi32, #tpu.memory_space<vmem>> -> memref<50xi32, #tpu.memory_space<vmem>>
      %dma_start3A_70 = arith.constant 0 : i32
      %dma_start3A_71 = arith.constant 0 : i32
      %dma_start3A_72 = tpu.memref_slice %arg3[%dma_start3A_70, %dma_start3A_71] : memref<100000x128xf32, #tpu.memory_space<hbm>> -> memref<100000x128xf32, #tpu.memory_space<hbm>>
      tpu.enqueue_indirect_dma source(%dma_start3A_72 : memref<100000x128xf32, #tpu.memory_space<hbm>>) target(%arg11 : memref<50x128xf32, #tpu.memory_space<vmem>>) offsets(%dma_start3A_69 : memref<50xi32, #tpu.memory_space<vmem>>) semaphore(%arg15 : memref<!tpu.dma_semaphore, #tpu.memory_space<semaphore_mem>>)
      %gt3A_73 = arith.constant 0 : i32
      %gt3A_74 = arith.cmpi sgt, %scan3A_47, %gt3A_73 : i32
      %convert_element_type3A_75 = arith.extui %gt3A_74 : i1 to i32
      %cond3A_76 = arith.constant 0 : i32
      %cond3A_77 = arith.cmpi ne, %convert_element_type3A_75, %cond3A_76 : i32
      scf.if %cond3A_77 {
        %dma_wait3A_308 = arith.constant 0 : i32
        %dma_wait3A_309 = arith.constant 0 : i32
        %dma_wait3A_310 = arith.constant 0 : i32
        %dma_wait3A_311 = tpu.memref_slice %arg5[%dma_wait3A_308, %dma_wait3A_309, %dma_wait3A_310] : memref<4096x50x300xf32, #tpu.memory_space<hbm>> -> memref<1x50x300xf32, #tpu.memory_space<hbm>>
        %dma_wait3A_312 = tpu.memref_squeeze %dma_wait3A_311 : memref<1x50x300xf32, #tpu.memory_space<hbm>> -> memref<50x300xf32, #tpu.memory_space<hbm>>
        %dma_wait3A_313 = arith.constant 0 : i32
        %dma_wait3A_314 = arith.constant 0 : i32
        %dma_wait3A_315 = tpu.memref_slice %arg5[%dma_wait3A_308, %dma_wait3A_313, %dma_wait3A_314] : memref<4096x50x300xf32, #tpu.memory_space<hbm>> -> memref<1x50x300xf32, #tpu.memory_space<hbm>>
        %dma_wait3A_316 = tpu.memref_squeeze %dma_wait3A_315 : memref<1x50x300xf32, #tpu.memory_space<hbm>> -> memref<50x300xf32, #tpu.memory_space<hbm>>
        tpu.wait_dma2 semaphore(%arg20 : memref<!tpu.dma_semaphore, #tpu.memory_space<semaphore_mem>>) src(%arg8 : memref<50x300xf32, #tpu.memory_space<vmem>>) dst(%dma_wait3A_316 : memref<50x300xf32, #tpu.memory_space<hbm>>)
      } else {
      }
      %mul3A_78 = arith.constant 4 : i32
      %mul3A_79 = arith.muli %scan3A_47, %mul3A_78 : i32
      %add3A_80 = arith.constant 1 : i32
      %add3A_81 = arith.addi %mul3A_79, %add3A_80 : i32
      %mul3A_82 = arith.constant 56 : i32
      %mul3A_83 = arith.muli %add3A_81, %mul3A_82 : i32
      %dma_start3A_84 = arith.constant 0 : i32
      %dma_start3A_85 = arith.constant 0 : i32
      %dma_start3A_86 = tpu.memref_slice %arg8[%dma_start3A_84, %dma_start3A_85] : memref<50x300xf32, #tpu.memory_space<vmem>> -> memref<50x128xf32, #tpu.memory_space<vmem>>
      %dma_start3A_87 = tpu.memref_slice %arg6[%mul3A_83] : memref<7168xi32, #tpu.memory_space<vmem>> -> memref<50xi32, #tpu.memory_space<vmem>>
      %dma_start3A_88 = arith.constant 0 : i32
      %dma_start3A_89 = arith.constant 0 : i32
      %dma_start3A_90 = tpu.memref_slice %arg2[%dma_start3A_88, %dma_start3A_89] : memref<100000x300xf32, #tpu.memory_space<hbm>> -> memref<100000x128xf32, #tpu.memory_space<hbm>>
      tpu.enqueue_indirect_dma source(%dma_start3A_90 : memref<100000x128xf32, #tpu.memory_space<hbm>>) target(%dma_start3A_86 : memref<50x128xf32, #tpu.memory_space<vmem>>) offsets(%dma_start3A_87 : memref<50xi32, #tpu.memory_space<vmem>>) semaphore(%arg16 : memref<!tpu.dma_semaphore, #tpu.memory_space<semaphore_mem>>)
      %dma_start3A_91 = arith.constant 0 : i32
      %dma_start3A_92 = arith.constant 128 : i32
      %dma_start3A_93 = tpu.memref_slice %arg8[%dma_start3A_91, %dma_start3A_92] : memref<50x300xf32, #tpu.memory_space<vmem>> -> memref<50x128xf32, #tpu.memory_space<vmem>>
      %dma_start3A_94 = tpu.memref_slice %arg6[%mul3A_83] : memref<7168xi32, #tpu.memory_space<vmem>> -> memref<50xi32, #tpu.memory_space<vmem>>
      %dma_start3A_95 = arith.constant 0 : i32
      %dma_start3A_96 = arith.constant 128 : i32
      %dma_start3A_97 = tpu.memref_slice %arg2[%dma_start3A_95, %dma_start3A_96] : memref<100000x300xf32, #tpu.memory_space<hbm>> -> memref<100000x128xf32, #tpu.memory_space<hbm>>
      tpu.enqueue_indirect_dma source(%dma_start3A_97 : memref<100000x128xf32, #tpu.memory_space<hbm>>) target(%dma_start3A_93 : memref<50x128xf32, #tpu.memory_space<vmem>>) offsets(%dma_start3A_94 : memref<50xi32, #tpu.memory_space<vmem>>) semaphore(%arg16 : memref<!tpu.dma_semaphore, #tpu.memory_space<semaphore_mem>>)
      %dma_start3A_98 = tpu.memref_slice %arg6[%mul3A_83] : memref<7168xi32, #tpu.memory_space<vmem>> -> memref<50xi32, #tpu.memory_space<vmem>>
      %dma_start3A_99 = arith.constant 0 : i32
      %dma_start3A_100 = arith.constant 0 : i32
      %dma_start3A_101 = tpu.memref_slice %arg3[%dma_start3A_99, %dma_start3A_100] : memref<100000x128xf32, #tpu.memory_space<hbm>> -> memref<100000x128xf32, #tpu.memory_space<hbm>>
      tpu.enqueue_indirect_dma source(%dma_start3A_101 : memref<100000x128xf32, #tpu.memory_space<hbm>>) target(%arg12 : memref<50x128xf32, #tpu.memory_space<vmem>>) offsets(%dma_start3A_98 : memref<50xi32, #tpu.memory_space<vmem>>) semaphore(%arg16 : memref<!tpu.dma_semaphore, #tpu.memory_space<semaphore_mem>>)
      %gt3A_102 = arith.constant 0 : i32
      %gt3A_103 = arith.cmpi sgt, %scan3A_47, %gt3A_102 : i32
      %convert_element_type3A_104 = arith.extui %gt3A_103 : i1 to i32
      %cond3A_105 = arith.constant 0 : i32
      %cond3A_106 = arith.cmpi ne, %convert_element_type3A_104, %cond3A_105 : i32
      scf.if %cond3A_106 {
        %dma_wait3A_308 = arith.constant 0 : i32
        %dma_wait3A_309 = arith.constant 0 : i32
        %dma_wait3A_310 = arith.constant 0 : i32
        %dma_wait3A_311 = tpu.memref_slice %arg5[%dma_wait3A_308, %dma_wait3A_309, %dma_wait3A_310] : memref<4096x50x300xf32, #tpu.memory_space<hbm>> -> memref<1x50x300xf32, #tpu.memory_space<hbm>>
        %dma_wait3A_312 = tpu.memref_squeeze %dma_wait3A_311 : memref<1x50x300xf32, #tpu.memory_space<hbm>> -> memref<50x300xf32, #tpu.memory_space<hbm>>
        %dma_wait3A_313 = arith.constant 0 : i32
        %dma_wait3A_314 = arith.constant 0 : i32
        %dma_wait3A_315 = tpu.memref_slice %arg5[%dma_wait3A_308, %dma_wait3A_313, %dma_wait3A_314] : memref<4096x50x300xf32, #tpu.memory_space<hbm>> -> memref<1x50x300xf32, #tpu.memory_space<hbm>>
        %dma_wait3A_316 = tpu.memref_squeeze %dma_wait3A_315 : memref<1x50x300xf32, #tpu.memory_space<hbm>> -> memref<50x300xf32, #tpu.memory_space<hbm>>
        tpu.wait_dma2 semaphore(%arg21 : memref<!tpu.dma_semaphore, #tpu.memory_space<semaphore_mem>>) src(%arg9 : memref<50x300xf32, #tpu.memory_space<vmem>>) dst(%dma_wait3A_316 : memref<50x300xf32, #tpu.memory_space<hbm>>)
      } else {
      }
      %mul3A_107 = arith.constant 4 : i32
      %mul3A_108 = arith.muli %scan3A_47, %mul3A_107 : i32
      %add3A_109 = arith.constant 2 : i32
      %add3A_110 = arith.addi %mul3A_108, %add3A_109 : i32
      %mul3A_111 = arith.constant 56 : i32
      %mul3A_112 = arith.muli %add3A_110, %mul3A_111 : i32
      %dma_start3A_113 = arith.constant 0 : i32
      %dma_start3A_114 = arith.constant 0 : i32
      %dma_start3A_115 = tpu.memref_slice %arg9[%dma_start3A_113, %dma_start3A_114] : memref<50x300xf32, #tpu.memory_space<vmem>> -> memref<50x128xf32, #tpu.memory_space<vmem>>
      %dma_start3A_116 = tpu.memref_slice %arg6[%mul3A_112] : memref<7168xi32, #tpu.memory_space<vmem>> -> memref<50xi32, #tpu.memory_space<vmem>>
      %dma_start3A_117 = arith.constant 0 : i32
      %dma_start3A_118 = arith.constant 0 : i32
      %dma_start3A_119 = tpu.memref_slice %arg2[%dma_start3A_117, %dma_start3A_118] : memref<100000x300xf32, #tpu.memory_space<hbm>> -> memref<100000x128xf32, #tpu.memory_space<hbm>>
      tpu.enqueue_indirect_dma source(%dma_start3A_119 : memref<100000x128xf32, #tpu.memory_space<hbm>>) target(%dma_start3A_115 : memref<50x128xf32, #tpu.memory_space<vmem>>) offsets(%dma_start3A_116 : memref<50xi32, #tpu.memory_space<vmem>>) semaphore(%arg17 : memref<!tpu.dma_semaphore, #tpu.memory_space<semaphore_mem>>)
      %dma_start3A_120 = arith.constant 0 : i32
      %dma_start3A_121 = arith.constant 128 : i32
      %dma_start3A_122 = tpu.memref_slice %arg9[%dma_start3A_120, %dma_start3A_121] : memref<50x300xf32, #tpu.memory_space<vmem>> -> memref<50x128xf32, #tpu.memory_space<vmem>>
      %dma_start3A_123 = tpu.memref_slice %arg6[%mul3A_112] : memref<7168xi32, #tpu.memory_space<vmem>> -> memref<50xi32, #tpu.memory_space<vmem>>
      %dma_start3A_124 = arith.constant 0 : i32
      %dma_start3A_125 = arith.constant 128 : i32
      %dma_start3A_126 = tpu.memref_slice %arg2[%dma_start3A_124, %dma_start3A_125] : memref<100000x300xf32, #tpu.memory_space<hbm>> -> memref<100000x128xf32, #tpu.memory_space<hbm>>
      tpu.enqueue_indirect_dma source(%dma_start3A_126 : memref<100000x128xf32, #tpu.memory_space<hbm>>) target(%dma_start3A_122 : memref<50x128xf32, #tpu.memory_space<vmem>>) offsets(%dma_start3A_123 : memref<50xi32, #tpu.memory_space<vmem>>) semaphore(%arg17 : memref<!tpu.dma_semaphore, #tpu.memory_space<semaphore_mem>>)
      %dma_start3A_127 = tpu.memref_slice %arg6[%mul3A_112] : memref<7168xi32, #tpu.memory_space<vmem>> -> memref<50xi32, #tpu.memory_space<vmem>>
      %dma_start3A_128 = arith.constant 0 : i32
      %dma_start3A_129 = arith.constant 0 : i32
      %dma_start3A_130 = tpu.memref_slice %arg3[%dma_start3A_128, %dma_start3A_129] : memref<100000x128xf32, #tpu.memory_space<hbm>> -> memref<100000x128xf32, #tpu.memory_space<hbm>>
      tpu.enqueue_indirect_dma source(%dma_start3A_130 : memref<100000x128xf32, #tpu.memory_space<hbm>>) target(%arg13 : memref<50x128xf32, #tpu.memory_space<vmem>>) offsets(%dma_start3A_127 : memref<50xi32, #tpu.memory_space<vmem>>) semaphore(%arg17 : memref<!tpu.dma_semaphore, #tpu.memory_space<semaphore_mem>>)
      %gt3A_131 = arith.constant 0 : i32
      %gt3A_132 = arith.cmpi sgt, %scan3A_47, %gt3A_131 : i32
      %convert_element_type3A_133 = arith.extui %gt3A_132 : i1 to i32
      %cond3A_134 = arith.constant 0 : i32
      %cond3A_135 = arith.cmpi ne, %convert_element_type3A_133, %cond3A_134 : i32
      scf.if %cond3A_135 {
        %dma_wait3A_308 = arith.constant 0 : i32
        %dma_wait3A_309 = arith.constant 0 : i32
        %dma_wait3A_310 = arith.constant 0 : i32
        %dma_wait3A_311 = tpu.memref_slice %arg5[%dma_wait3A_308, %dma_wait3A_309, %dma_wait3A_310] : memref<4096x50x300xf32, #tpu.memory_space<hbm>> -> memref<1x50x300xf32, #tpu.memory_space<hbm>>
        %dma_wait3A_312 = tpu.memref_squeeze %dma_wait3A_311 : memref<1x50x300xf32, #tpu.memory_space<hbm>> -> memref<50x300xf32, #tpu.memory_space<hbm>>
        %dma_wait3A_313 = arith.constant 0 : i32
        %dma_wait3A_314 = arith.constant 0 : i32
        %dma_wait3A_315 = tpu.memref_slice %arg5[%dma_wait3A_308, %dma_wait3A_313, %dma_wait3A_314] : memref<4096x50x300xf32, #tpu.memory_space<hbm>> -> memref<1x50x300xf32, #tpu.memory_space<hbm>>
        %dma_wait3A_316 = tpu.memref_squeeze %dma_wait3A_315 : memref<1x50x300xf32, #tpu.memory_space<hbm>> -> memref<50x300xf32, #tpu.memory_space<hbm>>
        tpu.wait_dma2 semaphore(%arg22 : memref<!tpu.dma_semaphore, #tpu.memory_space<semaphore_mem>>) src(%arg10 : memref<50x300xf32, #tpu.memory_space<vmem>>) dst(%dma_wait3A_316 : memref<50x300xf32, #tpu.memory_space<hbm>>)
      } else {
      }
      %mul3A_136 = arith.constant 4 : i32
      %mul3A_137 = arith.muli %scan3A_47, %mul3A_136 : i32
      %add3A_138 = arith.constant 3 : i32
      %add3A_139 = arith.addi %mul3A_137, %add3A_138 : i32
      %mul3A_140 = arith.constant 56 : i32
      %mul3A_141 = arith.muli %add3A_139, %mul3A_140 : i32
      %dma_start3A_142 = arith.constant 0 : i32
      %dma_start3A_143 = arith.constant 0 : i32
      %dma_start3A_144 = tpu.memref_slice %arg10[%dma_start3A_142, %dma_start3A_143] : memref<50x300xf32, #tpu.memory_space<vmem>> -> memref<50x128xf32, #tpu.memory_space<vmem>>
      %dma_start3A_145 = tpu.memref_slice %arg6[%mul3A_141] : memref<7168xi32, #tpu.memory_space<vmem>> -> memref<50xi32, #tpu.memory_space<vmem>>
      %dma_start3A_146 = arith.constant 0 : i32
      %dma_start3A_147 = arith.constant 0 : i32
      %dma_start3A_148 = tpu.memref_slice %arg2[%dma_start3A_146, %dma_start3A_147] : memref<100000x300xf32, #tpu.memory_space<hbm>> -> memref<100000x128xf32, #tpu.memory_space<hbm>>
      tpu.enqueue_indirect_dma source(%dma_start3A_148 : memref<100000x128xf32, #tpu.memory_space<hbm>>) target(%dma_start3A_144 : memref<50x128xf32, #tpu.memory_space<vmem>>) offsets(%dma_start3A_145 : memref<50xi32, #tpu.memory_space<vmem>>) semaphore(%arg18 : memref<!tpu.dma_semaphore, #tpu.memory_space<semaphore_mem>>)
      %dma_start3A_149 = arith.constant 0 : i32
      %dma_start3A_150 = arith.constant 128 : i32
      %dma_start3A_151 = tpu.memref_slice %arg10[%dma_start3A_149, %dma_start3A_150] : memref<50x300xf32, #tpu.memory_space<vmem>> -> memref<50x128xf32, #tpu.memory_space<vmem>>
      %dma_start3A_152 = tpu.memref_slice %arg6[%mul3A_141] : memref<7168xi32, #tpu.memory_space<vmem>> -> memref<50xi32, #tpu.memory_space<vmem>>
      %dma_start3A_153 = arith.constant 0 : i32
      %dma_start3A_154 = arith.constant 128 : i32
      %dma_start3A_155 = tpu.memref_slice %arg2[%dma_start3A_153, %dma_start3A_154] : memref<100000x300xf32, #tpu.memory_space<hbm>> -> memref<100000x128xf32, #tpu.memory_space<hbm>>
      tpu.enqueue_indirect_dma source(%dma_start3A_155 : memref<100000x128xf32, #tpu.memory_space<hbm>>) target(%dma_start3A_151 : memref<50x128xf32, #tpu.memory_space<vmem>>) offsets(%dma_start3A_152 : memref<50xi32, #tpu.memory_space<vmem>>) semaphore(%arg18 : memref<!tpu.dma_semaphore, #tpu.memory_space<semaphore_mem>>)
      %dma_start3A_156 = tpu.memref_slice %arg6[%mul3A_141] : memref<7168xi32, #tpu.memory_space<vmem>> -> memref<50xi32, #tpu.memory_space<vmem>>
      %dma_start3A_157 = arith.constant 0 : i32
      %dma_start3A_158 = arith.constant 0 : i32
      %dma_start3A_159 = tpu.memref_slice %arg3[%dma_start3A_157, %dma_start3A_158] : memref<100000x128xf32, #tpu.memory_space<hbm>> -> memref<100000x128xf32, #tpu.memory_space<hbm>>
      tpu.enqueue_indirect_dma source(%dma_start3A_159 : memref<100000x128xf32, #tpu.memory_space<hbm>>) target(%arg14 : memref<50x128xf32, #tpu.memory_space<vmem>>) offsets(%dma_start3A_156 : memref<50xi32, #tpu.memory_space<vmem>>) semaphore(%arg18 : memref<!tpu.dma_semaphore, #tpu.memory_space<semaphore_mem>>)
      %dma_wait3A_160 = arith.constant 0 : i32
      %dma_wait3A_161 = arith.constant 0 : i32
      %dma_wait3A_162 = tpu.memref_slice %arg7[%dma_wait3A_160, %dma_wait3A_161] : memref<50x300xf32, #tpu.memory_space<vmem>> -> memref<50x128xf32, #tpu.memory_space<vmem>>
      %dma_wait3A_163 = tpu.memref_slice %arg6[%mul3A_55] : memref<7168xi32, #tpu.memory_space<vmem>> -> memref<50xi32, #tpu.memory_space<vmem>>
      %dma_wait3A_164 = arith.constant 0 : i32
      %dma_wait3A_165 = arith.constant 0 : i32
      %dma_wait3A_166 = tpu.memref_slice %arg2[%dma_wait3A_164, %dma_wait3A_165] : memref<100000x300xf32, #tpu.memory_space<hbm>> -> memref<100000x128xf32, #tpu.memory_space<hbm>>
      tpu.wait_indirect_dma semaphore(%arg15 : memref<!tpu.dma_semaphore, #tpu.memory_space<semaphore_mem>>) src(%dma_wait3A_166 : memref<100000x128xf32, #tpu.memory_space<hbm>>) dst(%dma_wait3A_162 : memref<50x128xf32, #tpu.memory_space<vmem>>)
      %dma_wait3A_167 = arith.constant 0 : i32
      %dma_wait3A_168 = arith.constant 128 : i32
      %dma_wait3A_169 = tpu.memref_slice %arg7[%dma_wait3A_167, %dma_wait3A_168] : memref<50x300xf32, #tpu.memory_space<vmem>> -> memref<50x128xf32, #tpu.memory_space<vmem>>
      %dma_wait3A_170 = tpu.memref_slice %arg6[%mul3A_55] : memref<7168xi32, #tpu.memory_space<vmem>> -> memref<50xi32, #tpu.memory_space<vmem>>
      %dma_wait3A_171 = arith.constant 0 : i32
      %dma_wait3A_172 = arith.constant 128 : i32
      %dma_wait3A_173 = tpu.memref_slice %arg2[%dma_wait3A_171, %dma_wait3A_172] : memref<100000x300xf32, #tpu.memory_space<hbm>> -> memref<100000x128xf32, #tpu.memory_space<hbm>>
      tpu.wait_indirect_dma semaphore(%arg15 : memref<!tpu.dma_semaphore, #tpu.memory_space<semaphore_mem>>) src(%dma_wait3A_173 : memref<100000x128xf32, #tpu.memory_space<hbm>>) dst(%dma_wait3A_169 : memref<50x128xf32, #tpu.memory_space<vmem>>)
      %dma_wait3A_174 = tpu.memref_slice %arg6[%mul3A_55] : memref<7168xi32, #tpu.memory_space<vmem>> -> memref<50xi32, #tpu.memory_space<vmem>>
      %dma_wait3A_175 = arith.constant 0 : i32
      %dma_wait3A_176 = arith.constant 0 : i32
      %dma_wait3A_177 = tpu.memref_slice %arg3[%dma_wait3A_175, %dma_wait3A_176] : memref<100000x128xf32, #tpu.memory_space<hbm>> -> memref<100000x128xf32, #tpu.memory_space<hbm>>
      tpu.wait_indirect_dma semaphore(%arg15 : memref<!tpu.dma_semaphore, #tpu.memory_space<semaphore_mem>>) src(%dma_wait3A_177 : memref<100000x128xf32, #tpu.memory_space<hbm>>) dst(%arg11 : memref<50x128xf32, #tpu.memory_space<vmem>>)
      %scan3A_178 = arith.constant 0 : i32
      %scan3A_179 = arith.constant 0 : i32
      %scan3A_180 = arith.constant 50 : i32
      %scan3A_181 = arith.addi %scan3A_179, %scan3A_180 : i32
      %scan3A_182 = arith.constant 1 : i32
      scf.for %scan3A_308 = %scan3A_179 to %scan3A_181 step %scan3A_182  : i32 {
        %broadcast_in_dim3A = vector.broadcast %scan3A_308 : i32 to vector<16xi32>
        %get3A = arith.index_cast %scan3A_308 : i32 to index
        %get3A_309 = arith.constant 0 : index
        %get3A_310 = tpu.vector_load %arg11[%get3A, %get3A_309] {strides = array<i32>} : memref<50x128xf32, #tpu.memory_space<vmem>>, vector<16xf32>,
        %get3A_311 = arith.index_cast %scan3A_308 : i32 to index
        %get3A_312 = arith.constant 16 : index
        %get3A_313 = tpu.vector_load %arg11[%get3A_311, %get3A_312] {strides = array<i32>} : memref<50x128xf32, #tpu.memory_space<vmem>>, vector<16xf32>,
        %get3A_314 = arith.index_cast %scan3A_308 : i32 to index
        %get3A_315 = arith.constant 32 : index
        %get3A_316 = tpu.vector_load %arg11[%get3A_314, %get3A_315] {strides = array<i32>} : memref<50x128xf32, #tpu.memory_space<vmem>>, vector<16xf32>,
        %add3A_317 = arith.constant 256 : i32
        %add3A_318 = vector.broadcast %add3A_317 : i32 to vector<16xi32>
        %add3A_319 = arith.addi %iota3A, %add3A_318 : vector<16xi32>
        tpu.vector_store_idx %arg7[%broadcast_in_dim3A, %add3A_319], %get3A_310 : memref<50x300xf32, #tpu.memory_space<vmem>>[vector<16xi32>, vector<16xi32>], vector<16xf32>,
        %add3A_320 = arith.constant 272 : i32
        %add3A_321 = vector.broadcast %add3A_320 : i32 to vector<16xi32>
        %add3A_322 = arith.addi %iota3A, %add3A_321 : vector<16xi32>
        tpu.vector_store_idx %arg7[%broadcast_in_dim3A, %add3A_322], %get3A_313 : memref<50x300xf32, #tpu.memory_space<vmem>>[vector<16xi32>, vector<16xi32>], vector<16xf32>,
        %add3A_323 = arith.constant 288 : i32
        %add3A_324 = vector.broadcast %add3A_323 : i32 to vector<16xi32>
        %add3A_325 = arith.addi %iota3A, %add3A_324 : vector<16xi32>
        tpu.vector_store_idx %arg7[%broadcast_in_dim3A, %add3A_325], %get3A_316 masked %lt3A_4 : memref<50x300xf32, #tpu.memory_space<vmem>>[vector<16xi32>, vector<16xi32>], vector<16xf32>, vector<16xi1>
      }
      %scan3A_183 = arith.constant 50 : i32
      %mul3A_184 = arith.constant 4 : i32
      %mul3A_185 = arith.muli %scan3A_47, %mul3A_184 : i32
      %add3A_186 = arith.addi %mul3A_2, %mul3A_185 : i32
      %add3A_187 = arith.constant 0 : i32
      %add3A_188 = arith.addi %add3A_186, %add3A_187 : i32
      %dma_start3A_189 = arith.constant 0 : i32
      %dma_start3A_190 = arith.constant 0 : i32
      %dma_start3A_191 = tpu.memref_slice %arg5[%add3A_188, %dma_start3A_189, %dma_start3A_190] : memref<4096x50x300xf32, #tpu.memory_space<hbm>> -> memref<1x50x300xf32, #tpu.memory_space<hbm>>
      %dma_start3A_192 = tpu.memref_squeeze %dma_start3A_191 : memref<1x50x300xf32, #tpu.memory_space<hbm>> -> memref<50x300xf32, #tpu.memory_space<hbm>>
      %dma_start3A_193 = arith.constant 0 : i32
      %dma_start3A_194 = arith.constant 0 : i32
      %dma_start3A_195 = tpu.memref_slice %arg5[%add3A_188, %dma_start3A_193, %dma_start3A_194] : memref<4096x50x300xf32, #tpu.memory_space<hbm>> -> memref<1x50x300xf32, #tpu.memory_space<hbm>>
      %dma_start3A_196 = tpu.memref_squeeze %dma_start3A_195 : memref<1x50x300xf32, #tpu.memory_space<hbm>> -> memref<50x300xf32, #tpu.memory_space<hbm>>
      tpu.enqueue_dma source(%arg7 : memref<50x300xf32, #tpu.memory_space<vmem>>) target(%dma_start3A_196 : memref<50x300xf32, #tpu.memory_space<hbm>>) target_semaphore(%arg19 : memref<!tpu.dma_semaphore, #tpu.memory_space<semaphore_mem>>)
      %dma_wait3A_197 = arith.constant 0 : i32
      %dma_wait3A_198 = arith.constant 0 : i32
      %dma_wait3A_199 = tpu.memref_slice %arg8[%dma_wait3A_197, %dma_wait3A_198] : memref<50x300xf32, #tpu.memory_space<vmem>> -> memref<50x128xf32, #tpu.memory_space<vmem>>
      %dma_wait3A_200 = tpu.memref_slice %arg6[%mul3A_83] : memref<7168xi32, #tpu.memory_space<vmem>> -> memref<50xi32, #tpu.memory_space<vmem>>
      %dma_wait3A_201 = arith.constant 0 : i32
      %dma_wait3A_202 = arith.constant 0 : i32
      %dma_wait3A_203 = tpu.memref_slice %arg2[%dma_wait3A_201, %dma_wait3A_202] : memref<100000x300xf32, #tpu.memory_space<hbm>> -> memref<100000x128xf32, #tpu.memory_space<hbm>>
      tpu.wait_indirect_dma semaphore(%arg16 : memref<!tpu.dma_semaphore, #tpu.memory_space<semaphore_mem>>) src(%dma_wait3A_203 : memref<100000x128xf32, #tpu.memory_space<hbm>>) dst(%dma_wait3A_199 : memref<50x128xf32, #tpu.memory_space<vmem>>)
      %dma_wait3A_204 = arith.constant 0 : i32
      %dma_wait3A_205 = arith.constant 128 : i32
      %dma_wait3A_206 = tpu.memref_slice %arg8[%dma_wait3A_204, %dma_wait3A_205] : memref<50x300xf32, #tpu.memory_space<vmem>> -> memref<50x128xf32, #tpu.memory_space<vmem>>
      %dma_wait3A_207 = tpu.memref_slice %arg6[%mul3A_83] : memref<7168xi32, #tpu.memory_space<vmem>> -> memref<50xi32, #tpu.memory_space<vmem>>
      %dma_wait3A_208 = arith.constant 0 : i32
      %dma_wait3A_209 = arith.constant 128 : i32
      %dma_wait3A_210 = tpu.memref_slice %arg2[%dma_wait3A_208, %dma_wait3A_209] : memref<100000x300xf32, #tpu.memory_space<hbm>> -> memref<100000x128xf32, #tpu.memory_space<hbm>>
      tpu.wait_indirect_dma semaphore(%arg16 : memref<!tpu.dma_semaphore, #tpu.memory_space<semaphore_mem>>) src(%dma_wait3A_210 : memref<100000x128xf32, #tpu.memory_space<hbm>>) dst(%dma_wait3A_206 : memref<50x128xf32, #tpu.memory_space<vmem>>)
      %dma_wait3A_211 = tpu.memref_slice %arg6[%mul3A_83] : memref<7168xi32, #tpu.memory_space<vmem>> -> memref<50xi32, #tpu.memory_space<vmem>>
      %dma_wait3A_212 = arith.constant 0 : i32
      %dma_wait3A_213 = arith.constant 0 : i32
      %dma_wait3A_214 = tpu.memref_slice %arg3[%dma_wait3A_212, %dma_wait3A_213] : memref<100000x128xf32, #tpu.memory_space<hbm>> -> memref<100000x128xf32, #tpu.memory_space<hbm>>
      tpu.wait_indirect_dma semaphore(%arg16 : memref<!tpu.dma_semaphore, #tpu.memory_space<semaphore_mem>>) src(%dma_wait3A_214 : memref<100000x128xf32, #tpu.memory_space<hbm>>) dst(%arg12 : memref<50x128xf32, #tpu.memory_space<vmem>>)
      %scan3A_215 = arith.constant 0 : i32
      %scan3A_216 = arith.constant 0 : i32
      %scan3A_217 = arith.constant 50 : i32
      %scan3A_218 = arith.addi %scan3A_216, %scan3A_217 : i32
      %scan3A_219 = arith.constant 1 : i32
      scf.for %scan3A_308 = %scan3A_216 to %scan3A_218 step %scan3A_219  : i32 {
        %broadcast_in_dim3A = vector.broadcast %scan3A_308 : i32 to vector<16xi32>
        %get3A = arith.index_cast %scan3A_308 : i32 to index
        %get3A_309 = arith.constant 0 : index
        %get3A_310 = tpu.vector_load %arg12[%get3A, %get3A_309] {strides = array<i32>} : memref<50x128xf32, #tpu.memory_space<vmem>>, vector<16xf32>,
        %get3A_311 = arith.index_cast %scan3A_308 : i32 to index
        %get3A_312 = arith.constant 16 : index
        %get3A_313 = tpu.vector_load %arg12[%get3A_311, %get3A_312] {strides = array<i32>} : memref<50x128xf32, #tpu.memory_space<vmem>>, vector<16xf32>,
        %get3A_314 = arith.index_cast %scan3A_308 : i32 to index
        %get3A_315 = arith.constant 32 : index
        %get3A_316 = tpu.vector_load %arg12[%get3A_314, %get3A_315] {strides = array<i32>} : memref<50x128xf32, #tpu.memory_space<vmem>>, vector<16xf32>,
        %add3A_317 = arith.constant 256 : i32
        %add3A_318 = vector.broadcast %add3A_317 : i32 to vector<16xi32>
        %add3A_319 = arith.addi %iota3A, %add3A_318 : vector<16xi32>
        tpu.vector_store_idx %arg8[%broadcast_in_dim3A, %add3A_319], %get3A_310 : memref<50x300xf32, #tpu.memory_space<vmem>>[vector<16xi32>, vector<16xi32>], vector<16xf32>,
        %add3A_320 = arith.constant 272 : i32
        %add3A_321 = vector.broadcast %add3A_320 : i32 to vector<16xi32>
        %add3A_322 = arith.addi %iota3A, %add3A_321 : vector<16xi32>
        tpu.vector_store_idx %arg8[%broadcast_in_dim3A, %add3A_322], %get3A_313 : memref<50x300xf32, #tpu.memory_space<vmem>>[vector<16xi32>, vector<16xi32>], vector<16xf32>,
        %add3A_323 = arith.constant 288 : i32
        %add3A_324 = vector.broadcast %add3A_323 : i32 to vector<16xi32>
        %add3A_325 = arith.addi %iota3A, %add3A_324 : vector<16xi32>
        tpu.vector_store_idx %arg8[%broadcast_in_dim3A, %add3A_325], %get3A_316 masked %lt3A_4 : memref<50x300xf32, #tpu.memory_space<vmem>>[vector<16xi32>, vector<16xi32>], vector<16xf32>, vector<16xi1>
      }
      %scan3A_220 = arith.constant 50 : i32
      %mul3A_221 = arith.constant 4 : i32
      %mul3A_222 = arith.muli %scan3A_47, %mul3A_221 : i32
      %add3A_223 = arith.addi %mul3A_2, %mul3A_222 : i32
      %add3A_224 = arith.constant 1 : i32
      %add3A_225 = arith.addi %add3A_223, %add3A_224 : i32
      %dma_start3A_226 = arith.constant 0 : i32
      %dma_start3A_227 = arith.constant 0 : i32
      %dma_start3A_228 = tpu.memref_slice %arg5[%add3A_225, %dma_start3A_226, %dma_start3A_227] : memref<4096x50x300xf32, #tpu.memory_space<hbm>> -> memref<1x50x300xf32, #tpu.memory_space<hbm>>
      %dma_start3A_229 = tpu.memref_squeeze %dma_start3A_228 : memref<1x50x300xf32, #tpu.memory_space<hbm>> -> memref<50x300xf32, #tpu.memory_space<hbm>>
      %dma_start3A_230 = arith.constant 0 : i32
      %dma_start3A_231 = arith.constant 0 : i32
      %dma_start3A_232 = tpu.memref_slice %arg5[%add3A_225, %dma_start3A_230, %dma_start3A_231] : memref<4096x50x300xf32, #tpu.memory_space<hbm>> -> memref<1x50x300xf32, #tpu.memory_space<hbm>>
      %dma_start3A_233 = tpu.memref_squeeze %dma_start3A_232 : memref<1x50x300xf32, #tpu.memory_space<hbm>> -> memref<50x300xf32, #tpu.memory_space<hbm>>
      tpu.enqueue_dma source(%arg8 : memref<50x300xf32, #tpu.memory_space<vmem>>) target(%dma_start3A_233 : memref<50x300xf32, #tpu.memory_space<hbm>>) target_semaphore(%arg20 : memref<!tpu.dma_semaphore, #tpu.memory_space<semaphore_mem>>)
      %dma_wait3A_234 = arith.constant 0 : i32
      %dma_wait3A_235 = arith.constant 0 : i32
      %dma_wait3A_236 = tpu.memref_slice %arg9[%dma_wait3A_234, %dma_wait3A_235] : memref<50x300xf32, #tpu.memory_space<vmem>> -> memref<50x128xf32, #tpu.memory_space<vmem>>
      %dma_wait3A_237 = tpu.memref_slice %arg6[%mul3A_112] : memref<7168xi32, #tpu.memory_space<vmem>> -> memref<50xi32, #tpu.memory_space<vmem>>
      %dma_wait3A_238 = arith.constant 0 : i32
      %dma_wait3A_239 = arith.constant 0 : i32
      %dma_wait3A_240 = tpu.memref_slice %arg2[%dma_wait3A_238, %dma_wait3A_239] : memref<100000x300xf32, #tpu.memory_space<hbm>> -> memref<100000x128xf32, #tpu.memory_space<hbm>>
      tpu.wait_indirect_dma semaphore(%arg17 : memref<!tpu.dma_semaphore, #tpu.memory_space<semaphore_mem>>) src(%dma_wait3A_240 : memref<100000x128xf32, #tpu.memory_space<hbm>>) dst(%dma_wait3A_236 : memref<50x128xf32, #tpu.memory_space<vmem>>)
      %dma_wait3A_241 = arith.constant 0 : i32
      %dma_wait3A_242 = arith.constant 128 : i32
      %dma_wait3A_243 = tpu.memref_slice %arg9[%dma_wait3A_241, %dma_wait3A_242] : memref<50x300xf32, #tpu.memory_space<vmem>> -> memref<50x128xf32, #tpu.memory_space<vmem>>
      %dma_wait3A_244 = tpu.memref_slice %arg6[%mul3A_112] : memref<7168xi32, #tpu.memory_space<vmem>> -> memref<50xi32, #tpu.memory_space<vmem>>
      %dma_wait3A_245 = arith.constant 0 : i32
      %dma_wait3A_246 = arith.constant 128 : i32
      %dma_wait3A_247 = tpu.memref_slice %arg2[%dma_wait3A_245, %dma_wait3A_246] : memref<100000x300xf32, #tpu.memory_space<hbm>> -> memref<100000x128xf32, #tpu.memory_space<hbm>>
      tpu.wait_indirect_dma semaphore(%arg17 : memref<!tpu.dma_semaphore, #tpu.memory_space<semaphore_mem>>) src(%dma_wait3A_247 : memref<100000x128xf32, #tpu.memory_space<hbm>>) dst(%dma_wait3A_243 : memref<50x128xf32, #tpu.memory_space<vmem>>)
      %dma_wait3A_248 = tpu.memref_slice %arg6[%mul3A_112] : memref<7168xi32, #tpu.memory_space<vmem>> -> memref<50xi32, #tpu.memory_space<vmem>>
      %dma_wait3A_249 = arith.constant 0 : i32
      %dma_wait3A_250 = arith.constant 0 : i32
      %dma_wait3A_251 = tpu.memref_slice %arg3[%dma_wait3A_249, %dma_wait3A_250] : memref<100000x128xf32, #tpu.memory_space<hbm>> -> memref<100000x128xf32, #tpu.memory_space<hbm>>
      tpu.wait_indirect_dma semaphore(%arg17 : memref<!tpu.dma_semaphore, #tpu.memory_space<semaphore_mem>>) src(%dma_wait3A_251 : memref<100000x128xf32, #tpu.memory_space<hbm>>) dst(%arg13 : memref<50x128xf32, #tpu.memory_space<vmem>>)
      %scan3A_252 = arith.constant 0 : i32
      %scan3A_253 = arith.constant 0 : i32
      %scan3A_254 = arith.constant 50 : i32
      %scan3A_255 = arith.addi %scan3A_253, %scan3A_254 : i32
      %scan3A_256 = arith.constant 1 : i32
      scf.for %scan3A_308 = %scan3A_253 to %scan3A_255 step %scan3A_256  : i32 {
        %broadcast_in_dim3A = vector.broadcast %scan3A_308 : i32 to vector<16xi32>
        %get3A = arith.index_cast %scan3A_308 : i32 to index
        %get3A_309 = arith.constant 0 : index
        %get3A_310 = tpu.vector_load %arg13[%get3A, %get3A_309] {strides = array<i32>} : memref<50x128xf32, #tpu.memory_space<vmem>>, vector<16xf32>,
        %get3A_311 = arith.index_cast %scan3A_308 : i32 to index
        %get3A_312 = arith.constant 16 : index
        %get3A_313 = tpu.vector_load %arg13[%get3A_311, %get3A_312] {strides = array<i32>} : memref<50x128xf32, #tpu.memory_space<vmem>>, vector<16xf32>,
        %get3A_314 = arith.index_cast %scan3A_308 : i32 to index
        %get3A_315 = arith.constant 32 : index
        %get3A_316 = tpu.vector_load %arg13[%get3A_314, %get3A_315] {strides = array<i32>} : memref<50x128xf32, #tpu.memory_space<vmem>>, vector<16xf32>,
        %add3A_317 = arith.constant 256 : i32
        %add3A_318 = vector.broadcast %add3A_317 : i32 to vector<16xi32>
        %add3A_319 = arith.addi %iota3A, %add3A_318 : vector<16xi32>
        tpu.vector_store_idx %arg9[%broadcast_in_dim3A, %add3A_319], %get3A_310 : memref<50x300xf32, #tpu.memory_space<vmem>>[vector<16xi32>, vector<16xi32>], vector<16xf32>,
        %add3A_320 = arith.constant 272 : i32
        %add3A_321 = vector.broadcast %add3A_320 : i32 to vector<16xi32>
        %add3A_322 = arith.addi %iota3A, %add3A_321 : vector<16xi32>
        tpu.vector_store_idx %arg9[%broadcast_in_dim3A, %add3A_322], %get3A_313 : memref<50x300xf32, #tpu.memory_space<vmem>>[vector<16xi32>, vector<16xi32>], vector<16xf32>,
        %add3A_323 = arith.constant 288 : i32
        %add3A_324 = vector.broadcast %add3A_323 : i32 to vector<16xi32>
        %add3A_325 = arith.addi %iota3A, %add3A_324 : vector<16xi32>
        tpu.vector_store_idx %arg9[%broadcast_in_dim3A, %add3A_325], %get3A_316 masked %lt3A_4 : memref<50x300xf32, #tpu.memory_space<vmem>>[vector<16xi32>, vector<16xi32>], vector<16xf32>, vector<16xi1>
      }
      %scan3A_257 = arith.constant 50 : i32
      %mul3A_258 = arith.constant 4 : i32
      %mul3A_259 = arith.muli %scan3A_47, %mul3A_258 : i32
      %add3A_260 = arith.addi %mul3A_2, %mul3A_259 : i32
      %add3A_261 = arith.constant 2 : i32
      %add3A_262 = arith.addi %add3A_260, %add3A_261 : i32
      %dma_start3A_263 = arith.constant 0 : i32
      %dma_start3A_264 = arith.constant 0 : i32
      %dma_start3A_265 = tpu.memref_slice %arg5[%add3A_262, %dma_start3A_263, %dma_start3A_264] : memref<4096x50x300xf32, #tpu.memory_space<hbm>> -> memref<1x50x300xf32, #tpu.memory_space<hbm>>
      %dma_start3A_266 = tpu.memref_squeeze %dma_start3A_265 : memref<1x50x300xf32, #tpu.memory_space<hbm>> -> memref<50x300xf32, #tpu.memory_space<hbm>>
      %dma_start3A_267 = arith.constant 0 : i32
      %dma_start3A_268 = arith.constant 0 : i32
      %dma_start3A_269 = tpu.memref_slice %arg5[%add3A_262, %dma_start3A_267, %dma_start3A_268] : memref<4096x50x300xf32, #tpu.memory_space<hbm>> -> memref<1x50x300xf32, #tpu.memory_space<hbm>>
      %dma_start3A_270 = tpu.memref_squeeze %dma_start3A_269 : memref<1x50x300xf32, #tpu.memory_space<hbm>> -> memref<50x300xf32, #tpu.memory_space<hbm>>
      tpu.enqueue_dma source(%arg9 : memref<50x300xf32, #tpu.memory_space<vmem>>) target(%dma_start3A_270 : memref<50x300xf32, #tpu.memory_space<hbm>>) target_semaphore(%arg21 : memref<!tpu.dma_semaphore, #tpu.memory_space<semaphore_mem>>)
      %dma_wait3A_271 = arith.constant 0 : i32
      %dma_wait3A_272 = arith.constant 0 : i32
      %dma_wait3A_273 = tpu.memref_slice %arg10[%dma_wait3A_271, %dma_wait3A_272] : memref<50x300xf32, #tpu.memory_space<vmem>> -> memref<50x128xf32, #tpu.memory_space<vmem>>
      %dma_wait3A_274 = tpu.memref_slice %arg6[%mul3A_141] : memref<7168xi32, #tpu.memory_space<vmem>> -> memref<50xi32, #tpu.memory_space<vmem>>
      %dma_wait3A_275 = arith.constant 0 : i32
      %dma_wait3A_276 = arith.constant 0 : i32
      %dma_wait3A_277 = tpu.memref_slice %arg2[%dma_wait3A_275, %dma_wait3A_276] : memref<100000x300xf32, #tpu.memory_space<hbm>> -> memref<100000x128xf32, #tpu.memory_space<hbm>>
      tpu.wait_indirect_dma semaphore(%arg18 : memref<!tpu.dma_semaphore, #tpu.memory_space<semaphore_mem>>) src(%dma_wait3A_277 : memref<100000x128xf32, #tpu.memory_space<hbm>>) dst(%dma_wait3A_273 : memref<50x128xf32, #tpu.memory_space<vmem>>)
      %dma_wait3A_278 = arith.constant 0 : i32
      %dma_wait3A_279 = arith.constant 128 : i32
      %dma_wait3A_280 = tpu.memref_slice %arg10[%dma_wait3A_278, %dma_wait3A_279] : memref<50x300xf32, #tpu.memory_space<vmem>> -> memref<50x128xf32, #tpu.memory_space<vmem>>
      %dma_wait3A_281 = tpu.memref_slice %arg6[%mul3A_141] : memref<7168xi32, #tpu.memory_space<vmem>> -> memref<50xi32, #tpu.memory_space<vmem>>
      %dma_wait3A_282 = arith.constant 0 : i32
      %dma_wait3A_283 = arith.constant 128 : i32
      %dma_wait3A_284 = tpu.memref_slice %arg2[%dma_wait3A_282, %dma_wait3A_283] : memref<100000x300xf32, #tpu.memory_space<hbm>> -> memref<100000x128xf32, #tpu.memory_space<hbm>>
      tpu.wait_indirect_dma semaphore(%arg18 : memref<!tpu.dma_semaphore, #tpu.memory_space<semaphore_mem>>) src(%dma_wait3A_284 : memref<100000x128xf32, #tpu.memory_space<hbm>>) dst(%dma_wait3A_280 : memref<50x128xf32, #tpu.memory_space<vmem>>)
      %dma_wait3A_285 = tpu.memref_slice %arg6[%mul3A_141] : memref<7168xi32, #tpu.memory_space<vmem>> -> memref<50xi32, #tpu.memory_space<vmem>>
      %dma_wait3A_286 = arith.constant 0 : i32
      %dma_wait3A_287 = arith.constant 0 : i32
      %dma_wait3A_288 = tpu.memref_slice %arg3[%dma_wait3A_286, %dma_wait3A_287] : memref<100000x128xf32, #tpu.memory_space<hbm>> -> memref<100000x128xf32, #tpu.memory_space<hbm>>
      tpu.wait_indirect_dma semaphore(%arg18 : memref<!tpu.dma_semaphore, #tpu.memory_space<semaphore_mem>>) src(%dma_wait3A_288 : memref<100000x128xf32, #tpu.memory_space<hbm>>) dst(%arg14 : memref<50x128xf32, #tpu.memory_space<vmem>>)
      %scan3A_289 = arith.constant 0 : i32
      %scan3A_290 = arith.constant 0 : i32
      %scan3A_291 = arith.constant 50 : i32
      %scan3A_292 = arith.addi %scan3A_290, %scan3A_291 : i32
      %scan3A_293 = arith.constant 1 : i32
      scf.for %scan3A_308 = %scan3A_290 to %scan3A_292 step %scan3A_293  : i32 {
        %broadcast_in_dim3A = vector.broadcast %scan3A_308 : i32 to vector<16xi32>
        %get3A = arith.index_cast %scan3A_308 : i32 to index
        %get3A_309 = arith.constant 0 : index
        %get3A_310 = tpu.vector_load %arg14[%get3A, %get3A_309] {strides = array<i32>} : memref<50x128xf32, #tpu.memory_space<vmem>>, vector<16xf32>,
        %get3A_311 = arith.index_cast %scan3A_308 : i32 to index
        %get3A_312 = arith.constant 16 : index
        %get3A_313 = tpu.vector_load %arg14[%get3A_311, %get3A_312] {strides = array<i32>} : memref<50x128xf32, #tpu.memory_space<vmem>>, vector<16xf32>,
        %get3A_314 = arith.index_cast %scan3A_308 : i32 to index
        %get3A_315 = arith.constant 32 : index
        %get3A_316 = tpu.vector_load %arg14[%get3A_314, %get3A_315] {strides = array<i32>} : memref<50x128xf32, #tpu.memory_space<vmem>>, vector<16xf32>,
        %add3A_317 = arith.constant 256 : i32
        %add3A_318 = vector.broadcast %add3A_317 : i32 to vector<16xi32>
        %add3A_319 = arith.addi %iota3A, %add3A_318 : vector<16xi32>
        tpu.vector_store_idx %arg10[%broadcast_in_dim3A, %add3A_319], %get3A_310 : memref<50x300xf32, #tpu.memory_space<vmem>>[vector<16xi32>, vector<16xi32>], vector<16xf32>,
        %add3A_320 = arith.constant 272 : i32
        %add3A_321 = vector.broadcast %add3A_320 : i32 to vector<16xi32>
        %add3A_322 = arith.addi %iota3A, %add3A_321 : vector<16xi32>
        tpu.vector_store_idx %arg10[%broadcast_in_dim3A, %add3A_322], %get3A_313 : memref<50x300xf32, #tpu.memory_space<vmem>>[vector<16xi32>, vector<16xi32>], vector<16xf32>,
        %add3A_323 = arith.constant 288 : i32
        %add3A_324 = vector.broadcast %add3A_323 : i32 to vector<16xi32>
        %add3A_325 = arith.addi %iota3A, %add3A_324 : vector<16xi32>
        tpu.vector_store_idx %arg10[%broadcast_in_dim3A, %add3A_325], %get3A_316 masked %lt3A_4 : memref<50x300xf32, #tpu.memory_space<vmem>>[vector<16xi32>, vector<16xi32>], vector<16xf32>, vector<16xi1>
      }
      %scan3A_294 = arith.constant 50 : i32
      %mul3A_295 = arith.constant 4 : i32
      %mul3A_296 = arith.muli %scan3A_47, %mul3A_295 : i32
      %add3A_297 = arith.addi %mul3A_2, %mul3A_296 : i32
      %add3A_298 = arith.constant 3 : i32
      %add3A_299 = arith.addi %add3A_297, %add3A_298 : i32
      %dma_start3A_300 = arith.constant 0 : i32
      %dma_start3A_301 = arith.constant 0 : i32
      %dma_start3A_302 = tpu.memref_slice %arg5[%add3A_299, %dma_start3A_300, %dma_start3A_301] : memref<4096x50x300xf32, #tpu.memory_space<hbm>> -> memref<1x50x300xf32, #tpu.memory_space<hbm>>
      %dma_start3A_303 = tpu.memref_squeeze %dma_start3A_302 : memref<1x50x300xf32, #tpu.memory_space<hbm>> -> memref<50x300xf32, #tpu.memory_space<hbm>>
      %dma_start3A_304 = arith.constant 0 : i32
      %dma_start3A_305 = arith.constant 0 : i32
      %dma_start3A_306 = tpu.memref_slice %arg5[%add3A_299, %dma_start3A_304, %dma_start3A_305] : memref<4096x50x300xf32, #tpu.memory_space<hbm>> -> memref<1x50x300xf32, #tpu.memory_space<hbm>>
      %dma_start3A_307 = tpu.memref_squeeze %dma_start3A_306 : memref<1x50x300xf32, #tpu.memory_space<hbm>> -> memref<50x300xf32, #tpu.memory_space<hbm>>
      tpu.enqueue_dma source(%arg10 : memref<50x300xf32, #tpu.memory_space<vmem>>) target(%dma_start3A_307 : memref<50x300xf32, #tpu.memory_space<hbm>>) target_semaphore(%arg22 : memref<!tpu.dma_semaphore, #tpu.memory_space<semaphore_mem>>)
    }
    %scan3A_11 = arith.constant 32 : i32
    %dma_wait3A = arith.constant 0 : i32
    %dma_wait3A_12 = arith.constant 0 : i32
    %dma_wait3A_13 = arith.constant 0 : i32
    %dma_wait3A_14 = tpu.memref_slice %arg5[%dma_wait3A, %dma_wait3A_12, %dma_wait3A_13] : memref<4096x50x300xf32, #tpu.memory_space<hbm>> -> memref<1x50x300xf32, #tpu.memory_space<hbm>>
    %dma_wait3A_15 = tpu.memref_squeeze %dma_wait3A_14 : memref<1x50x300xf32, #tpu.memory_space<hbm>> -> memref<50x300xf32, #tpu.memory_space<hbm>>
    %dma_wait3A_16 = arith.constant 0 : i32
    %dma_wait3A_17 = arith.constant 0 : i32
    %dma_wait3A_18 = tpu.memref_slice %arg5[%dma_wait3A, %dma_wait3A_16, %dma_wait3A_17] : memref<4096x50x300xf32, #tpu.memory_space<hbm>> -> memref<1x50x300xf32, #tpu.memory_space<hbm>>
    %dma_wait3A_19 = tpu.memref_squeeze %dma_wait3A_18 : memref<1x50x300xf32, #tpu.memory_space<hbm>> -> memref<50x300xf32, #tpu.memory_space<hbm>>
    tpu.wait_dma2 semaphore(%arg19 : memref<!tpu.dma_semaphore, #tpu.memory_space<semaphore_mem>>) src(%arg7 : memref<50x300xf32, #tpu.memory_space<vmem>>) dst(%dma_wait3A_19 : memref<50x300xf32, #tpu.memory_space<hbm>>)
    %dma_wait3A_20 = arith.constant 0 : i32
    %dma_wait3A_21 = arith.constant 0 : i32
    %dma_wait3A_22 = arith.constant 0 : i32
    %dma_wait3A_23 = tpu.memref_slice %arg5[%dma_wait3A_20, %dma_wait3A_21, %dma_wait3A_22] : memref<4096x50x300xf32, #tpu.memory_space<hbm>> -> memref<1x50x300xf32, #tpu.memory_space<hbm>>
    %dma_wait3A_24 = tpu.memref_squeeze %dma_wait3A_23 : memref<1x50x300xf32, #tpu.memory_space<hbm>> -> memref<50x300xf32, #tpu.memory_space<hbm>>
    %dma_wait3A_25 = arith.constant 0 : i32
    %dma_wait3A_26 = arith.constant 0 : i32
    %dma_wait3A_27 = tpu.memref_slice %arg5[%dma_wait3A_20, %dma_wait3A_25, %dma_wait3A_26] : memref<4096x50x300xf32, #tpu.memory_space<hbm>> -> memref<1x50x300xf32, #tpu.memory_space<hbm>>
    %dma_wait3A_28 = tpu.memref_squeeze %dma_wait3A_27 : memref<1x50x300xf32, #tpu.memory_space<hbm>> -> memref<50x300xf32, #tpu.memory_space<hbm>>
    tpu.wait_dma2 semaphore(%arg20 : memref<!tpu.dma_semaphore, #tpu.memory_space<semaphore_mem>>) src(%arg8 : memref<50x300xf32, #tpu.memory_space<vmem>>) dst(%dma_wait3A_28 : memref<50x300xf32, #tpu.memory_space<hbm>>)
    %dma_wait3A_29 = arith.constant 0 : i32
    %dma_wait3A_30 = arith.constant 0 : i32
    %dma_wait3A_31 = arith.constant 0 : i32
    %dma_wait3A_32 = tpu.memref_slice %arg5[%dma_wait3A_29, %dma_wait3A_30, %dma_wait3A_31] : memref<4096x50x300xf32, #tpu.memory_space<hbm>> -> memref<1x50x300xf32, #tpu.memory_space<hbm>>
    %dma_wait3A_33 = tpu.memref_squeeze %dma_wait3A_32 : memref<1x50x300xf32, #tpu.memory_space<hbm>> -> memref<50x300xf32, #tpu.memory_space<hbm>>
    %dma_wait3A_34 = arith.constant 0 : i32
    %dma_wait3A_35 = arith.constant 0 : i32
    %dma_wait3A_36 = tpu.memref_slice %arg5[%dma_wait3A_29, %dma_wait3A_34, %dma_wait3A_35] : memref<4096x50x300xf32, #tpu.memory_space<hbm>> -> memref<1x50x300xf32, #tpu.memory_space<hbm>>
    %dma_wait3A_37 = tpu.memref_squeeze %dma_wait3A_36 : memref<1x50x300xf32, #tpu.memory_space<hbm>> -> memref<50x300xf32, #tpu.memory_space<hbm>>
    tpu.wait_dma2 semaphore(%arg21 : memref<!tpu.dma_semaphore, #tpu.memory_space<semaphore_mem>>) src(%arg9 : memref<50x300xf32, #tpu.memory_space<vmem>>) dst(%dma_wait3A_37 : memref<50x300xf32, #tpu.memory_space<hbm>>)
    %dma_wait3A_38 = arith.constant 0 : i32
    %dma_wait3A_39 = arith.constant 0 : i32
    %dma_wait3A_40 = arith.constant 0 : i32
    %dma_wait3A_41 = tpu.memref_slice %arg5[%dma_wait3A_38, %dma_wait3A_39, %dma_wait3A_40] : memref<4096x50x300xf32, #tpu.memory_space<hbm>> -> memref<1x50x300xf32, #tpu.memory_space<hbm>>
    %dma_wait3A_42 = tpu.memref_squeeze %dma_wait3A_41 : memref<1x50x300xf32, #tpu.memory_space<hbm>> -> memref<50x300xf32, #tpu.memory_space<hbm>>
    %dma_wait3A_43 = arith.constant 0 : i32
    %dma_wait3A_44 = arith.constant 0 : i32
    %dma_wait3A_45 = tpu.memref_slice %arg5[%dma_wait3A_38, %dma_wait3A_43, %dma_wait3A_44] : memref<4096x50x300xf32, #tpu.memory_space<hbm>> -> memref<1x50x300xf32, #tpu.memory_space<hbm>>
    %dma_wait3A_46 = tpu.memref_squeeze %dma_wait3A_45 : memref<1x50x300xf32, #tpu.memory_space<hbm>> -> memref<50x300xf32, #tpu.memory_space<hbm>>
    tpu.wait_dma2 semaphore(%arg22 : memref<!tpu.dma_semaphore, #tpu.memory_space<semaphore_mem>>) src(%arg10 : memref<50x300xf32, #tpu.memory_space<vmem>>) dst(%dma_wait3A_46 : memref<50x300xf32, #tpu.memory_space<hbm>>)
    return
  }
}

module attributes {stable_mosaic.version = 14 : i64} {
  func.func @_tail_copy_body(%arg0: i32, %arg1: memref<4000x128xf32, #tpu.memory_space<vmem>>, %arg2: memref<4000x128xf32, #tpu.memory_space<vmem>>) attributes {dimension_semantics = [#tpu.dimension_semantics<arbitrary>], iteration_bounds = array<i64: 25>, scalar_prefetch = 0 : i64, scratch_operands = 0 : i64, tpu.core_type = #tpu.core_type<tc>, window_params = [{transform_indices = @transform_0, window_bounds = array<i64: 4000, 128>}, {transform_indices = @transform_1, window_bounds = array<i64: 4000, 128>}]} {
    %get3A = arith.constant 0 : index
    %get3A_0 = arith.constant 0 : index
    %get3A_1 = vector.load %arg1[%get3A, %get3A_0] : memref<4000x128xf32, #tpu.memory_space<vmem>>, vector<4000x128xf32>
    %swap3A = arith.constant 0 : index
    %swap3A_2 = arith.constant 0 : index
    %swap3A_3 = vector.load %arg2[%swap3A, %swap3A_2] : memref<4000x128xf32, #tpu.memory_space<vmem>>, vector<4000x128xf32>
    tpu.vector_store %arg2[%swap3A, %swap3A_2], %get3A_1 {strides = array<i32>} : memref<4000x128xf32, #tpu.memory_space<vmem>>, vector<4000x128xf32>,
    return
  }
  func.func @transform_0(%arg0: i32) -> (i32, i32) {
    %c2_i32 = arith.constant 2 : i32
    %c0_i32 = arith.constant 0 : i32
    return %arg0, %c2_i32 : i32, i32
  }
  func.func @transform_1(%arg0: i32) -> (i32, i32) {
    %c0_i32 = arith.constant 0 : i32
    %c0_i32_0 = arith.constant 0 : i32
    return %arg0, %c0_i32 : i32, i32
  }
}

</mosaic_0001>

<sc_bundles>
// kernel: kernel.4.cloned.1.call-start
scs
__scs_entry_jumppad:
0x0: {  	(pc) =	sbr.rel $0x88, $3  }
0x1: {  	(tag) =	ssettag $0x0;
	lr =	simm.s32 $0x1  }
0x2: {  	[smem:$0x3F9F] =	sst lr;
	_ =	strace $0xD0000000  }
0x3: {  	_ = 	snop  }
0x4: {  	_ = 	snop  }
0x5: {  	_ = 	snop  }
0x6: {  	_ = 	snop  }
0x7: {  	_ = 	snop  }
__scs_overlays_trampoline_lowered:
0x8: {  	[smem:$0x3FAE] =	sst s0  }
0x9: {  	[smem:$0x3FAF] =	sst s1  }
0xa: {  	[smem:$0x3FB0] =	sst s2  }
0xb: {  	[smem:$0x3FB1] =	sst s3  }
0xc: {  	[smem:$0x3FB2] =	sst s4  }
0xd: {  	[smem:$0x3FB3] =	sst s5  }
0xe: {  	[smem:$0x3FB4] =	sst s6  }
0xf: {  	[smem:$0x3FB5] =	sst s7  }
0x10: {  	[smem:$0x3FB6] =	sst s8  }
0x11: {  	[smem:$0x3FB7] =	sst s9;
	s0 =	simm.s32 @!p0 $0x0  }
0x12: {  	s1 =	sld [smem:$0x3F9D];
	s0 =	simm.s32 @p0 $0x1  }
0x13: {  	[smem:$0x3FB8] =	sst s0;
	s0 =	simm.s32 @!p1 $0x0  }
0x14: {  	s2 =	sld [smem:$0x3F9C];
	s0 =	simm.s32 @p1 $0x1  }
0x15: {  	[smem:$0x3FB9] =	sst s0;
	s0 =	simm.s32 @!p2 $0x0  }
0x16: {  	s3 =	sld [smem:$0x3FDB];
	s0 =	simm.s32 @p2 $0x1  }
0x17: {  	s4 =	simm.s32 $0x1BF5;
	[smem:$0x3FBB] =	sst s0  }
0x18: {  	s0 =	sld [smem:$0x3F9E];
	_ =	swait.ge [sflag:s4], $0x0  }
0x19: {  	s7 =	sld [smem:$0x3F9F]  }
0x1a: {  	s8 =	sadd.s32 $0xFFFFE003, lr  }
0x1b: {  	s9 =	sadd.s32 $0xFFFFFEF7, lr;
	s5 =	simm.s32 $0xFFFFFFFF;
	p2 =	slt.u32 s8, $0xFFFFF086  }
0x1c: {  	p1 =	slt.u32 s9, $0xF7A;
	s5 =	simm.s32 @!p2 $0x0  }
0x1d: {  	s5 =	simm.s32 @p1 $0x1;
	p0 =	seq.s32 s7, s2  }
0x1e: {  	s7 =	smul.u32 @!p0 $0xF7A, s2;
	p2 =	seq.s32 @!p0 s5, $0x0  }
0x1f: {  	s9 =	smul.u32 $0xF7A, s1;
	s8 =	simm.s32 @!p0 $0x1BF5;
	p2 =	por !p2, p0  }
0x20: {  	[sflag:s8] =	ssyncset.s32 @!p0 $0xFFFFF086;
	s6 =	sadd.s32 @!p0 s3, s7;
	s7 =	simm.s32 @!p0 $0x108  }
0x21: {  	s3 =	sadd.s32 s3, s9;
	s6 =	sadd.s32 @!p0 $0x88, s6;
	s7 =	simm.s32 @p2 $0x1082  }
0x22: {  	[simem:s7], [sflag:s8] =	dma.local @!p0 [hbm:s6], $0xF7A  }
0x23: {  	s9 =	sor.u32 $0xD0000000, s2;
	s6 =	simm.s32 $0x108;
	_ =	swait.ge @!p0 [sflag:s8], $0x0  }
0x24: {  	s3 =	sadd.s32 $0x88, s3;
	s6 =	simm.s32 @!p1 $0x1082;
	[sflag:s4] =	ssyncset.s32 $0xFFFFF086  }
0x25: {  	[simem:s6], [sflag:s4] =	dma.local [hbm:s3], $0xF7A  }
0x26: {  	[smem:$0x3F9F] =	sst s1;
	(tag) =	ssettag s2;
	_ =	strace s9  }
0x27: {  	s1 =	sld [smem:$0x3FAF]  }
0x28: {  	s2 =	sld [smem:$0x3FB0]  }
0x29: {  	s4 =	sld [smem:$0x3FB2]  }
0x2a: {  	p0 =	seq.s32 s5, $0x0;
	s5 =	sld [smem:$0x3FB3]  }
0x2b: {  	s6 =	sld [smem:$0x3FB4]  }
0x2c: {  	s7 =	sld [smem:$0x3FB5]  }
0x2d: {  	s3 =	simm.s32 $0x108;
	s8 =	sld [smem:$0x3FB6]  }
0x2e: {  	s3 =	simm.s32 @!p0 $0x1082;
	s9 =	sld [smem:$0x3FB7]  }
0x2f: {  	lr =	sadd.s32 s0, s3;
	s0 =	sld [smem:$0x3FAE]  }
0x30: {  	s3 =	sld [smem:$0x3FB1]  }
0x31: {  	[smem:$0x3FBA] =	sst s10  }
0x32: {  	s10 =	sld [smem:$0x3FB8];
	_ =	sdelay $0x3  }
0x33: {  	p0 =	seq.s32 s10, $0x1;
	s10 =	sld [smem:$0x3FBA];
	_ =	sdelay $0x3  }
0x34: {  	[smem:$0x3FBA] =	sst s10  }
0x35: {  	s10 =	sld [smem:$0x3FB9];
	_ =	sdelay $0x3  }
0x36: {  	p1 =	seq.s32 s10, $0x1;
	s10 =	sld [smem:$0x3FBA];
	_ =	sdelay $0x3  }
0x37: {  	[smem:$0x3FBA] =	sst s10  }
0x38: {  	s10 =	sld [smem:$0x3FBB]  }
0x39: {  	_ = 	snop;
	(pc) =	sbr.ind lr, $3  }
0x3a: {  	_ = 	snop  }
0x3b: {  	_ = 	snop  }
0x3c: {  	p2 =	seq.s32 s10, $0x1;
	s10 =	sld [smem:$0x3FBA]  }
0x3d: {  	_ =	shalt  }
0x3e: {  	_ =	shalt  }
0x3f: {  	_ =	shalt  }
0x40: {  	_ =	shalt  }
0x41: {  	_ =	shalt  }
0x42: {  	_ =	shalt  }
0x43: {  	_ =	shalt  }
0x44: {  	_ =	shalt  }
0x45: {  	_ =	shalt  }
0x46: {  	_ =	shalt  }
0x47: {  	_ =	shalt  }
0x48: {  	_ =	shalt  }
0x49: {  	_ =	shalt  }
0x4a: {  	_ =	shalt  }
0x4b: {  	_ =	shalt  }
0x4c: {  	_ =	shalt  }
0x4d: {  	_ =	shalt  }
0x4e: {  	_ =	shalt  }
0x4f: {  	_ =	shalt  }
0x50: {  	_ =	shalt  }
0x51: {  	_ =	shalt  }
0x52: {  	_ =	shalt  }
0x53: {  	_ =	shalt  }
0x54: {  	_ =	shalt  }
0x55: {  	_ =	shalt  }
0x56: {  	_ =	shalt  }
0x57: {  	_ =	shalt  }
0x58: {  	_ =	shalt  }
0x59: {  	_ =	shalt  }
0x5a: {  	_ =	shalt  }
0x5b: {  	_ =	shalt  }
0x5c: {  	_ =	shalt  }
0x5d: {  	_ =	shalt  }
0x5e: {  	_ =	shalt  }
0x5f: {  	_ =	shalt  }
0x60: {  	_ =	shalt  }
0x61: {  	_ =	shalt  }
0x62: {  	_ =	shalt  }
0x63: {  	_ =	shalt  }
0x64: {  	_ =	shalt  }
0x65: {  	_ =	shalt  }
0x66: {  	_ =	shalt  }
0x67: {  	_ =	shalt  }
0x68: {  	_ =	shalt  }
0x69: {  	_ =	shalt  }
0x6a: {  	_ =	shalt  }
0x6b: {  	_ =	shalt  }
0x6c: {  	_ =	shalt  }
0x6d: {  	_ =	shalt  }
0x6e: {  	_ =	shalt  }
0x6f: {  	_ =	shalt  }
0x70: {  	_ =	shalt  }
0x71: {  	_ =	shalt  }
0x72: {  	_ =	shalt  }
0x73: {  	_ =	shalt  }
0x74: {  	_ =	shalt  }
0x75: {  	_ =	shalt  }
0x76: {  	_ =	shalt  }
0x77: {  	_ =	shalt  }
0x78: {  	_ =	shalt  }
0x79: {  	_ =	shalt  }
0x7a: {  	_ =	shalt  }
0x7b: {  	_ =	shalt  }
0x7c: {  	_ =	shalt  }
0x7d: {  	_ =	shalt  }
0x7e: {  	_ =	shalt  }
0x7f: {  	_ =	shalt  }
0x80: {  	_ =	shalt  }
0x81: {  	_ =	shalt  }
0x82: {  	_ =	shalt  }
0x83: {  	_ =	shalt  }
0x84: {  	_ =	shalt  }
0x85: {  	_ =	shalt  }
0x86: {  	_ =	shalt  }
0x87: {  	_ =	shalt  }
.Lfunc_end0:
.L_simem_size_0:
called_computation_lowered:
.L_overlay_start_0:
0x88: {  	s2 =	sld [smem:$0x3FD9]  }
0x89: {  	s3 =	sld [smem:$0x3FFE];
	_ =	sdelay $0x1  }
0x8a: {  	s1 =	srdreg.scid  }
0x8b: {  	s0 =	sand.u32 $0x1, s1  }
0x8c: {  	s17 =	sshll.u32 s0, $0xA;
	s2 =	sadd.s32 s3, s2  }
0x8d: {  	s2 =	sadd.s32 s2, s17  }
0x8e: {  	[smem:$0x3FC6] =	sst s2  }
0x8f: {  	_ = 	snop  }
0x90: {  	s2 =	sld [smem:$0x3FD0];
	(tm) =	ssettm $0x1  }
0x91: {  	s18 =	sld [smem:$0x3FFB];
	_ =	sdelay $0x3  }
0x92: {  	_ =	strace s18  }
0x93: {  	s3 =	sld [smem:$0x3FFC];
	_ =	sdelay $0x3  }
0x94: {  	_ =	strace s3  }
0x95: {  	s3 =	sld [smem:$0x3FFD];
	_ =	sdelay $0x3  }
0x96: {  	_ =	strace s3  }
0x97: {  	_ =	strace $0x8FFFFFFF  }
0x98: {  	s19 =	sld [smem:$0x3FDB];
	_ =	sdelay $0x1  }
0x99: {  	s4 =	simm.s32 $_scs_section_size  }
0x9a: {  	s5 =	simm.s32 $_size__tile_overlayer_lowered;
	s6 =	simm.s32 $_tile_overlayer_lowered  }
0x9b: {  	s22 =	simm.s32 $0x1BFF;
	s21 =	sshll.u32 s6, $0x1;
	s3 =	sadd.s32 s4, s19  }
0x9c: {  	s7 =	simm.s32 $0x0;
	s20 =	sshll.u32 s5, $0x1;
	s5 =	sadd.s32 s21, s3  }
0x9d: {  	[timem:s7], [sflag:s22] =	dma.local [hbm:s5], s20  }
0x9e: {  	_ =	swait.ge [sflag:s22], s20  }
0x9f: {  	s4 =	ssub.s32 $0x0, s20;
	[sflag:s22] =	ssyncset.done $0x0  }
0xa0: {  	[sflag:s22] =	ssyncadd.s32 s4;
	_ =	sdelay $0x1  }
0xa1: {  	s23 =	simm.s32 $0x1B8B  }
0xa2: {  	_ =	swait.ge [sflag:s23], $0x1  }
0xa3: {  	[sflag:s23] =	ssyncset.done $0x0  }
0xa4: {  	s25 =	simm.s32 $0x1B8E;
	s24 =	sld [smem:$0x3FFE];
	[sflag:s23] =	ssyncadd.s32 $0xFFFFFFFF  }
0xa5: {  	s26 =	simm.s32 $execute0_lowered;
	[smem:$0x3FD2] =	sst s25  }
0xa6: {  	s5 =	sshll.u32 s26, $0x1;
	_ =	strace $0x80000046;
	[dreg:$0x1] =	wrdreg $0xFFFFFFFF  }
0xa7: {  	s28 =	simm.s32 $_size_execute0_lowered;
	s3 =	sadd.s32 s3, s5;
	[dreg:$0x0] =	wrdreg $0x0  }
0xa8: {  	s5 =	sshll.u32 s28, $0x1;
	[dreg:$0x2] =	wrdreg s3  }
0xa9: {  	[dreg:$0x3] =	wrdreg s5  }
0xaa: {  	[dreg:$0x4] =	wrdreg $0xC0  }
0xab: {  	_ =	task [dreg:s7], $0x5FFFF  }
0xac: {  	[dreg:$0x1] =	wrdreg $0xFFFFFFFF  }
0xad: {  	[dreg:$0x0] =	wrdreg $0x60  }
0xae: {  	[dreg:$0x2] =	wrdreg s2  }
0xaf: {  	[dreg:$0x3] =	wrdreg s24  }
0xb0: {  	[dreg:$0x4] =	wrdreg $0x9  }
0xb1: {  	_ =	task.clear_ibuf [dreg:s7], $0x5FFFF;
	_ =	strace $0x90000046  }
0xb2: {  	s29 =	simm.s32 $0x9;
	_ =	strace $0x80000048  }
0xb3: {  	_ =	swait.ge [sflag:s29], $0x1  }
0xb4: {  	[sflag:s29] =	ssyncadd.s32 $0xFFFFFFFF  }
0xb5: {  	_ =	strace $0x90000048  }
0xb6: {  	_ =	sfence  }
0xb7: {  	s30 =	sld [smem:$0x0];
	_ =	sdelay $0x2  }
0xb8: {  	s31 =	sshll.u32 s1, $0xD;
	s1 =	sshrl.u32 s1, $0x2  }
0xb9: {  	s3 =	sand.u32 $0x4000, s31;
	s1 =	sadd.s32 s1, s30  }
0xba: {  	s0 =	sor.u32 s3, s0;
	s1 =	sshll.u32 s1, $0x11  }
0xbb: {  	s0 =	sor.u32 s1, s0  }
0xbc: {  	s0 =	sadd.s32 $0x8F2B, s0  }
0xbd: {  	[sflag:s0] =	ssyncadd.remote.s32 $0x1  }
0xbe: {  	_ =	sfence.sel $0xFFFF  }
0xbf: {  	[dreg:$0x0] =	wrdreg $0xFFFFFFFF;
	(pc) =	sbr.abs _section_cstart, $3  }
0xc0: {  	[dreg:$0x1] =	wrdreg $0xFFFFFFFF  }
0xc1: {  	_ =	task.clear_ibuf [dreg:s7], $0x2FFFF;
	_ =	strace $0x9FFFFFFF  }
0xc2: {  	(tm) =	ssettm $0x7FFFFFFF  }
0xc3: {  	_ =	shalt  }
tec
execute0_lowered:
.L_overlay_start_1:
0x0: {  	(tag) =	ssettag $0x1  }
0x1: {  	s2 =	rddreg [dreg:$0x0];
	s0 =	srdreg.scid  }
0x2: {  	s3 =	stileid.u32;
	s1 =	rddreg [dreg:$0x1];
	s11 =	simm.s32 $0x1C00  }
0x3: {  	s25 =	simm.s32 $0x32;
	s28 =	simm.s32 $0x7000;
	s18 =	simm.s32 $0xC400  }
0x4: {  	s10 =	simm.s32 $0x11800;
	s15 =	simm.s32 $0x14800;
	s16 =	simm.s32 $0x15400  }
0x5: {  	s17 =	simm.s32 $0x16000;
	s19 =	simm.s32 $0x11C00;
	s20 =	simm.s32 $0x12800  }
0x6: {  	s21 =	simm.s32 $0x13400;
	s22 =	simm.s32 $0x14000;
	s23 =	simm.s32 $0x14C00  }
0x7: {  	s24 =	simm.s32 $0x15800;
	s29 =	simm.s32 $0x1C000;
	s30 =	simm.s32 $0x1  }
0x8: {  	s31 =	simm.s32 $0x2;
	s0 =	sand.u32 $0x1, s0;
	s4 =	sshll.u32 s3, $0x1  }
0x9: {  	s12 =	simm.s32 $0x0;
	s3 =	simm.s32 $0x0;
	s6 =	sor.u32 s0, s4  }
0xa: {  	[smem:$0x7FF] =	sst s3;
	s0 =	ssub.s32 $0x2, s0;
	s5 =	smul.u32 $0x380, s6  }
0xb: {  	s4 =	sadd.s32 $0x7400, s1;
	_ =	strace $0x80000047;
	s7 =	sshrl.u32 s0, $0x1  }
0xc: {  	s6 =	sshll.u32 s6, $0x7;
	s0 =	ssub.s32 s0, s7;
	s8 =	sadd.s32 s5, s1  }
0xd: {  	v0 =	vlaneseq.u32;
	vm0 =	vmmov $0xff;
	vm1 =	vmmov $0x3;
	s5 =	sadd.s32 $0x18DE00, s1;
	s0 =	smax.u32 s0, $0x1;
	s1 =	simm.s32 $0x3  }
0xe: {  	v1 =	vand.u32 $0x7, v0;
	v2 =	vshrl.u32 v0, $0x3;
	v3 =	vor.u32 $0x8, v0;
	s26 =	sadd.s32 $0x400, s8;
	s8 =	sadd.s32 $0x80, s2;
	[dreg:$0x4] =	wrdreg s0  }
0xf: {  	v4 =	vor.u32 $0x10, v0;
	v5 =	vor.u32 $0x20, v0;
	v2 =	vmul.u32 $0x8, v2;
	s0 =	simm.s32 $0x4;
	[dreg:$0x3] =	wrdreg s26;
	s26 =	simm.s32 $0x16400  }
.LBB2_1:
0x10: {  	[dreg:$0x5] =	wrdreg s12  }
0x11: {  	s7 =	rddreg [dreg:$0x3];
	s14 =	simm.s32 $0x9  }
0x12: {  	[tilespmem:s3], [sflag:$0x9] =	stream.linear.gather [hbm4b:s7+s3], $0x1C00, $0x38;
	[tilespmem:$0x1DC00] =	vst v63  }
0x13: {  	_ =	swait.ge [sflag:s14], $0x1C00  }
0x14: {  	[sflag:s14] =	ssyncset.done $0x0  }
0x15: {  	s7 =	simm.s32 $0x0;
	[sflag:s14] =	ssyncadd.s32 $0xFFFFE400  }
.LBB2_2:
0x16: {  	p0 =	seq.s32 s7, $0x0  }
0x17: {  	s9 =	simm.s32 @!p0 $0x5  }
0x18: {  	s12 =	smul.u32 $0x380, s7;
	_ =	swait.ge @!p0 [sflag:s9], $0x5400  }
0x19: {  	[sflag:s9] =	ssyncset.done @!p0 $0x0  }
0x1a: {  	[sflag:s9] =	ssyncadd.s32 @!p0 $0xFFFFAC00;
	s9 =	sshra.s32 s12, $0x2  }
0x1b: {  	v6 =	vld [tilespmem:s9+$0x0];
	_ =	sdelay $0x4  }
0x1c: {  	v7 =	vshrl.u32 v6, $0x3  }
0x1d: {  	v7 =	vmul.u32 $0x18, v7  }
0x1e: {  	v6 =	vand.u32 $0x7, v6  }
0x1f: {  	v6 =	vor.u32 v6, v7  }
0x20: {  	v7 =	vperm.xlane v6, v1;
	_ =	sdelay $0x1  }
0x21: {  	v6 =	vperm.xlane v6, v3;
	v7 =	vadd.s32 v2, v7;
	_ =	sdelay $0x1  }
0x22: {  	v6 =	vadd.s32 v2, v6;
	_ =	sdelay $0x2  }
0x23: {  	[tilespmem:s11], [sflag:$0x1] =	stream.indirect_vreg.gather [hbm4b:s2+s3], $0x80, v7, vm0, $0xb8;
	[tilespmem:$0x1DC00] =	vst v63  }
0x24: {  	s13 =	simm.s32 $0x2800  }
0x25: {  	[tilespmem:s13], [sflag:$0x1] =	stream.indirect_vreg.gather [hbm4b:s2+s3], $0x80, v6, vm0, $0xb8;
	[tilespmem:$0x1DC00] =	vst v63  }
0x26: {  	v6 =	vld [tilespmem:s9+$0x10];
	_ =	sdelay $0x4  }
0x27: {  	v7 =	vshrl.u32 v6, $0x3  }
0x28: {  	v7 =	vmul.u32 $0x18, v7  }
0x29: {  	v6 =	vand.u32 $0x7, v6  }
0x2a: {  	v6 =	vor.u32 v6, v7  }
0x2b: {  	v7 =	vperm.xlane v6, v1;
	_ =	sdelay $0x1  }
0x2c: {  	v6 =	vperm.xlane v6, v3;
	v7 =	vadd.s32 v2, v7;
	_ =	sdelay $0x1  }
0x2d: {  	v6 =	vadd.s32 v2, v6;
	_ =	sdelay $0x1  }
0x2e: {  	s14 =	simm.s32 $0x3400  }
0x2f: {  	[tilespmem:s14], [sflag:$0x1] =	stream.indirect_vreg.gather [hbm4b:s2+s3], $0x80, v7, vm0, $0xb8;
	[tilespmem:$0x1DC00] =	vst v63  }
0x30: {  	s13 =	simm.s32 $0x4000  }
0x31: {  	[tilespmem:s13], [sflag:$0x1] =	stream.indirect_vreg.gather [hbm4b:s2+s3], $0x80, v6, vm0, $0xb8;
	[tilespmem:$0x1DC00] =	vst v63  }
0x32: {  	v6 =	vld [tilespmem:s9+$0x20];
	_ =	sdelay $0x4  }
0x33: {  	v7 =	vshrl.u32 v6, $0x3  }
0x34: {  	v7 =	vmul.u32 $0x18, v7  }
0x35: {  	v6 =	vand.u32 $0x7, v6  }
0x36: {  	v6 =	vor.u32 v6, v7  }
0x37: {  	v7 =	vperm.xlane v6, v1;
	_ =	sdelay $0x1  }
0x38: {  	v6 =	vperm.xlane v6, v3;
	v7 =	vadd.s32 v2, v7;
	_ =	sdelay $0x1  }
0x39: {  	v6 =	vadd.s32 v2, v6;
	_ =	sdelay $0x1  }
0x3a: {  	s14 =	simm.s32 $0x4C00  }
0x3b: {  	[tilespmem:s14], [sflag:$0x1] =	stream.indirect_vreg.gather [hbm4b:s2+s3], $0x80, v7, vm0, $0xb8;
	[tilespmem:$0x1DC00] =	vst v63  }
0x3c: {  	s13 =	simm.s32 $0x5800  }
0x3d: {  	[tilespmem:s13], [sflag:$0x1] =	stream.indirect_vreg.gather [hbm4b:s2+s3], $0x80, v6, vm0, $0xb8;
	[tilespmem:$0x1DC00] =	vst v63  }
0x3e: {  	v6 =	vld.msk [tilespmem:s9+$0x30], $0x3;
	_ =	sdelay $0x4  }
0x3f: {  	v7 =	vshrl.u32 v6, $0x3  }
0x40: {  	v7 =	vmul.u32 $0x18, v7  }
0x41: {  	v6 =	vand.u32 $0x7, v6  }
0x42: {  	v6 =	vor.u32 v6, v7  }
0x43: {  	v6 =	vperm.xlane v6, v1;
	_ =	sdelay $0x1  }
0x44: {  	v6 =	vadd.s32 v2, v6;
	_ =	sdelay $0x3  }
0x45: {  	s14 =	simm.s32 $0x6400  }
0x46: {  	[tilespmem:s14], [sflag:$0x1] =	stream.indirect_vreg.gather [hbm4b:s2+s3], $0x80, v6, vm1, $0xb8;
	[tilespmem:$0x1DC00] =	vst v63  }
0x47: {  	v6 =	vld [tilespmem:s9+$0x0];
	_ =	sdelay $0x4  }
0x48: {  	v7 =	vshrl.u32 v6, $0x3  }
0x49: {  	v7 =	vmul.u32 $0x18, v7  }
0x4a: {  	v6 =	vand.u32 $0x7, v6  }
0x4b: {  	v6 =	vor.u32 v6, v7  }
0x4c: {  	v7 =	vperm.xlane v6, v1;
	_ =	sdelay $0x1  }
0x4d: {  	v6 =	vperm.xlane v6, v3;
	v7 =	vadd.s32 v2, v7;
	_ =	sdelay $0x1  }
0x4e: {  	v6 =	vadd.s32 v2, v6;
	_ =	sdelay $0x1  }
0x4f: {  	s13 =	simm.s32 $0x2000  }
0x50: {  	[tilespmem:s13], [sflag:$0x1] =	stream.indirect_vreg.gather [hbm4b:s8+s3], $0x80, v7, vm0, $0xb8;
	[tilespmem:$0x1DC00] =	vst v63  }
0x51: {  	s14 =	simm.s32 $0x2C00  }
0x52: {  	[tilespmem:s14], [sflag:$0x1] =	stream.indirect_vreg.gather [hbm4b:s8+s3], $0x80, v6, vm0, $0xb8;
	[tilespmem:$0x1DC00] =	vst v63  }
0x53: {  	v6 =	vld [tilespmem:s9+$0x10];
	_ =	sdelay $0x4  }
0x54: {  	v7 =	vshrl.u32 v6, $0x3  }
0x55: {  	v7 =	vmul.u32 $0x18, v7  }
0x56: {  	v6 =	vand.u32 $0x7, v6  }
0x57: {  	v6 =	vor.u32 v6, v7  }
0x58: {  	v7 =	vperm.xlane v6, v1;
	_ =	sdelay $0x1  }
0x59: {  	v6 =	vperm.xlane v6, v3;
	v7 =	vadd.s32 v2, v7;
	_ =	sdelay $0x1  }
0x5a: {  	v6 =	vadd.s32 v2, v6;
	_ =	sdelay $0x1  }
0x5b: {  	s13 =	simm.s32 $0x3800  }
0x5c: {  	[tilespmem:s13], [sflag:$0x1] =	stream.indirect_vreg.gather [hbm4b:s8+s3], $0x80, v7, vm0, $0xb8;
	[tilespmem:$0x1DC00] =	vst v63  }
0x5d: {  	s14 =	simm.s32 $0x4400  }
0x5e: {  	[tilespmem:s14], [sflag:$0x1] =	stream.indirect_vreg.gather [hbm4b:s8+s3], $0x80, v6, vm0, $0xb8;
	[tilespmem:$0x1DC00] =	vst v63  }
0x5f: {  	v6 =	vld [tilespmem:s9+$0x20];
	_ =	sdelay $0x4  }
0x60: {  	v7 =	vshrl.u32 v6, $0x3  }
0x61: {  	v7 =	vmul.u32 $0x18, v7  }
0x62: {  	v6 =	vand.u32 $0x7, v6  }
0x63: {  	v6 =	vor.u32 v6, v7  }
0x64: {  	v7 =	vperm.xlane v6, v1;
	_ =	sdelay $0x1  }
0x65: {  	v6 =	vperm.xlane v6, v3;
	v7 =	vadd.s32 v2, v7;
	_ =	sdelay $0x1  }
0x66: {  	v6 =	vadd.s32 v2, v6;
	_ =	sdelay $0x1  }
0x67: {  	s13 =	simm.s32 $0x5000  }
0x68: {  	[tilespmem:s13], [sflag:$0x1] =	stream.indirect_vreg.gather [hbm4b:s8+s3], $0x80, v7, vm0, $0xb8;
	[tilespmem:$0x1DC00] =	vst v63  }
0x69: {  	s14 =	simm.s32 $0x5C00  }
0x6a: {  	[tilespmem:s14], [sflag:$0x1] =	stream.indirect_vreg.gather [hbm4b:s8+s3], $0x80, v6, vm0, $0xb8;
	[tilespmem:$0x1DC00] =	vst v63  }
0x6b: {  	v6 =	vld.msk [tilespmem:s9+$0x30], $0x3;
	_ =	sdelay $0x4  }
0x6c: {  	v7 =	vshrl.u32 v6, $0x3  }
0x6d: {  	v7 =	vmul.u32 $0x18, v7  }
0x6e: {  	v6 =	vand.u32 $0x7, v6  }
0x6f: {  	v6 =	vor.u32 v6, v7  }
0x70: {  	v6 =	vperm.xlane v6, v1;
	_ =	sdelay $0x1  }
0x71: {  	v6 =	vadd.s32 v2, v6;
	_ =	sdelay $0x3  }
0x72: {  	s13 =	simm.s32 $0x6800  }
0x73: {  	[tilespmem:s13], [sflag:$0x1] =	stream.indirect_vreg.gather [hbm4b:s8+s3], $0x80, v6, vm1, $0xb8;
	[tilespmem:$0x1DC00] =	vst v63  }
0x74: {  	s12 =	simm.s32 @!p0 $0x6;
	s14 =	simm.s32 $0x16C00  }
0x75: {  	[tilespmem:s14], [sflag:$0x1] =	stream.indirect.gather [hbm4b:s4+s25], $0x80, s9, s25, $0xb8;
	[tilespmem:$0x1DC00] =	vst v63  }
0x76: {  	_ =	swait.ge @!p0 [sflag:s12], $0x5400  }
0x77: {  	[sflag:s12] =	ssyncset.done @!p0 $0x0  }
0x78: {  	[sflag:s12] =	ssyncadd.s32 @!p0 $0xFFFFAC00  }
0x79: {  	v6 =	vld [tilespmem:s9+$0x38];
	_ =	sdelay $0x4  }
0x7a: {  	v7 =	vshrl.u32 v6, $0x3  }
0x7b: {  	v7 =	vmul.u32 $0x18, v7  }
0x7c: {  	v6 =	vand.u32 $0x7, v6  }
0x7d: {  	v6 =	vor.u32 v6, v7  }
0x7e: {  	v7 =	vperm.xlane v6, v1;
	_ =	sdelay $0x1  }
0x7f: {  	v6 =	vperm.xlane v6, v3;
	v7 =	vadd.s32 v2, v7;
	_ =	sdelay $0x1  }
0x80: {  	v6 =	vadd.s32 v2, v6;
	_ =	sdelay $0x2  }
0x81: {  	[tilespmem:s28], [sflag:$0x2] =	stream.indirect_vreg.gather [hbm4b:s2+s3], $0x80, v7, vm0, $0xb8;
	[tilespmem:$0x1DC00] =	vst v63  }
0x82: {  	s13 =	simm.s32 $0x7C00  }
0x83: {  	[tilespmem:s13], [sflag:$0x2] =	stream.indirect_vreg.gather [hbm4b:s2+s3], $0x80, v6, vm0, $0xb8;
	[tilespmem:$0x1DC00] =	vst v63  }
0x84: {  	v6 =	vld [tilespmem:s9+$0x48];
	_ =	sdelay $0x4  }
0x85: {  	v7 =	vshrl.u32 v6, $0x3  }
0x86: {  	v7 =	vmul.u32 $0x18, v7  }
0x87: {  	v6 =	vand.u32 $0x7, v6  }
0x88: {  	v6 =	vor.u32 v6, v7  }
0x89: {  	v7 =	vperm.xlane v6, v1;
	_ =	sdelay $0x1  }
0x8a: {  	v6 =	vperm.xlane v6, v3;
	v7 =	vadd.s32 v2, v7;
	_ =	sdelay $0x1  }
0x8b: {  	v6 =	vadd.s32 v2, v6;
	_ =	sdelay $0x1  }
0x8c: {  	s14 =	simm.s32 $0x8800  }
0x8d: {  	[tilespmem:s14], [sflag:$0x2] =	stream.indirect_vreg.gather [hbm4b:s2+s3], $0x80, v7, vm0, $0xb8;
	[tilespmem:$0x1DC00] =	vst v63  }
0x8e: {  	s13 =	simm.s32 $0x9400  }
0x8f: {  	[tilespmem:s13], [sflag:$0x2] =	stream.indirect_vreg.gather [hbm4b:s2+s3], $0x80, v6, vm0, $0xb8;
	[tilespmem:$0x1DC00] =	vst v63  }
0x90: {  	v6 =	vld [tilespmem:s9+$0x58];
	_ =	sdelay $0x4  }
0x91: {  	v7 =	vshrl.u32 v6, $0x3  }
0x92: {  	v7 =	vmul.u32 $0x18, v7  }
0x93: {  	v6 =	vand.u32 $0x7, v6  }
0x94: {  	v6 =	vor.u32 v6, v7  }
0x95: {  	v7 =	vperm.xlane v6, v1;
	_ =	sdelay $0x1  }
0x96: {  	v6 =	vperm.xlane v6, v3;
	v7 =	vadd.s32 v2, v7;
	_ =	sdelay $0x1  }
0x97: {  	v6 =	vadd.s32 v2, v6;
	_ =	sdelay $0x1  }
0x98: {  	s14 =	simm.s32 $0xA000  }
0x99: {  	[tilespmem:s14], [sflag:$0x2] =	stream.indirect_vreg.gather [hbm4b:s2+s3], $0x80, v7, vm0, $0xb8;
	[tilespmem:$0x1DC00] =	vst v63  }
0x9a: {  	s13 =	simm.s32 $0xAC00  }
0x9b: {  	[tilespmem:s13], [sflag:$0x2] =	stream.indirect_vreg.gather [hbm4b:s2+s3], $0x80, v6, vm0, $0xb8;
	[tilespmem:$0x1DC00] =	vst v63  }
0x9c: {  	v6 =	vld.msk [tilespmem:s9+$0x68], $0x3;
	_ =	sdelay $0x4  }
0x9d: {  	v7 =	vshrl.u32 v6, $0x3  }
0x9e: {  	v7 =	vmul.u32 $0x18, v7  }
0x9f: {  	v6 =	vand.u32 $0x7, v6  }
0xa0: {  	v6 =	vor.u32 v6, v7  }
0xa1: {  	v6 =	vperm.xlane v6, v1;
	_ =	sdelay $0x1  }
0xa2: {  	v6 =	vadd.s32 v2, v6;
	_ =	sdelay $0x3  }
0xa3: {  	s14 =	simm.s32 $0xB800  }
0xa4: {  	[tilespmem:s14], [sflag:$0x2] =	stream.indirect_vreg.gather [hbm4b:s2+s3], $0x80, v6, vm1, $0xb8;
	[tilespmem:$0x1DC00] =	vst v63  }
0xa5: {  	v6 =	vld [tilespmem:s9+$0x38];
	_ =	sdelay $0x4  }
0xa6: {  	v7 =	vshrl.u32 v6, $0x3  }
0xa7: {  	v7 =	vmul.u32 $0x18, v7  }
0xa8: {  	v6 =	vand.u32 $0x7, v6  }
0xa9: {  	v6 =	vor.u32 v6, v7  }
0xaa: {  	v7 =	vperm.xlane v6, v1;
	_ =	sdelay $0x1  }
0xab: {  	v6 =	vperm.xlane v6, v3;
	v7 =	vadd.s32 v2, v7;
	_ =	sdelay $0x1  }
0xac: {  	v6 =	vadd.s32 v2, v6;
	_ =	sdelay $0x1  }
0xad: {  	s13 =	simm.s32 $0x7400  }
0xae: {  	[tilespmem:s13], [sflag:$0x2] =	stream.indirect_vreg.gather [hbm4b:s8+s3], $0x80, v7, vm0, $0xb8;
	[tilespmem:$0x1DC00] =	vst v63  }
0xaf: {  	s14 =	simm.s32 $0x8000  }
0xb0: {  	[tilespmem:s14], [sflag:$0x2] =	stream.indirect_vreg.gather [hbm4b:s8+s3], $0x80, v6, vm0, $0xb8;
	[tilespmem:$0x1DC00] =	vst v63  }
0xb1: {  	v6 =	vld [tilespmem:s9+$0x48];
	_ =	sdelay $0x4  }
0xb2: {  	v7 =	vshrl.u32 v6, $0x3  }
0xb3: {  	v7 =	vmul.u32 $0x18, v7  }
0xb4: {  	v6 =	vand.u32 $0x7, v6  }
0xb5: {  	v6 =	vor.u32 v6, v7  }
0xb6: {  	v7 =	vperm.xlane v6, v1;
	_ =	sdelay $0x1  }
0xb7: {  	v6 =	vperm.xlane v6, v3;
	v7 =	vadd.s32 v2, v7;
	_ =	sdelay $0x1  }
0xb8: {  	v6 =	vadd.s32 v2, v6;
	_ =	sdelay $0x1  }
0xb9: {  	s13 =	simm.s32 $0x8C00  }
0xba: {  	[tilespmem:s13], [sflag:$0x2] =	stream.indirect_vreg.gather [hbm4b:s8+s3], $0x80, v7, vm0, $0xb8;
	[tilespmem:$0x1DC00] =	vst v63  }
0xbb: {  	s14 =	simm.s32 $0x9800  }
0xbc: {  	[tilespmem:s14], [sflag:$0x2] =	stream.indirect_vreg.gather [hbm4b:s8+s3], $0x80, v6, vm0, $0xb8;
	[tilespmem:$0x1DC00] =	vst v63  }
0xbd: {  	v6 =	vld [tilespmem:s9+$0x58];
	_ =	sdelay $0x4  }
0xbe: {  	v7 =	vshrl.u32 v6, $0x3  }
0xbf: {  	v7 =	vmul.u32 $0x18, v7  }
0xc0: {  	v6 =	vand.u32 $0x7, v6  }
0xc1: {  	v6 =	vor.u32 v6, v7  }
0xc2: {  	v7 =	vperm.xlane v6, v1;
	_ =	sdelay $0x1  }
0xc3: {  	v6 =	vperm.xlane v6, v3;
	v7 =	vadd.s32 v2, v7;
	_ =	sdelay $0x1  }
0xc4: {  	v6 =	vadd.s32 v2, v6;
	_ =	sdelay $0x1  }
0xc5: {  	s13 =	simm.s32 $0xA400  }
0xc6: {  	[tilespmem:s13], [sflag:$0x2] =	stream.indirect_vreg.gather [hbm4b:s8+s3], $0x80, v7, vm0, $0xb8;
	[tilespmem:$0x1DC00] =	vst v63  }
0xc7: {  	s14 =	simm.s32 $0xB000  }
0xc8: {  	[tilespmem:s14], [sflag:$0x2] =	stream.indirect_vreg.gather [hbm4b:s8+s3], $0x80, v6, vm0, $0xb8;
	[tilespmem:$0x1DC00] =	vst v63  }
0xc9: {  	v6 =	vld.msk [tilespmem:s9+$0x68], $0x3;
	_ =	sdelay $0x4  }
0xca: {  	v7 =	vshrl.u32 v6, $0x3  }
0xcb: {  	v7 =	vmul.u32 $0x18, v7  }
0xcc: {  	v6 =	vand.u32 $0x7, v6  }
0xcd: {  	v6 =	vor.u32 v6, v7  }
0xce: {  	v6 =	vperm.xlane v6, v1;
	_ =	sdelay $0x1  }
0xcf: {  	v6 =	vadd.s32 v2, v6;
	_ =	sdelay $0x3  }
0xd0: {  	s13 =	simm.s32 $0xBC00  }
0xd1: {  	[tilespmem:s13], [sflag:$0x2] =	stream.indirect_vreg.gather [hbm4b:s8+s3], $0x80, v6, vm1, $0xb8;
	[tilespmem:$0x1DC00] =	vst v63  }
0xd2: {  	s12 =	simm.s32 @!p0 $0x7;
	s14 =	sadd.s32 $0x38, s9;
	s13 =	simm.s32 $0x18800  }
0xd3: {  	[tilespmem:s13], [sflag:$0x2] =	stream.indirect.gather [hbm4b:s4+s25], $0x80, s14, s25, $0xb8;
	[tilespmem:$0x1DC00] =	vst v63  }
0xd4: {  	_ =	swait.ge @!p0 [sflag:s12], $0x5400  }
0xd5: {  	[sflag:s12] =	ssyncset.done @!p0 $0x0  }
0xd6: {  	[sflag:s12] =	ssyncadd.s32 @!p0 $0xFFFFAC00  }
0xd7: {  	v6 =	vld [tilespmem:s9+$0x70];
	_ =	sdelay $0x4  }
0xd8: {  	v7 =	vshrl.u32 v6, $0x3  }
0xd9: {  	v7 =	vmul.u32 $0x18, v7  }
0xda: {  	v6 =	vand.u32 $0x7, v6  }
0xdb: {  	v6 =	vor.u32 v6, v7  }
0xdc: {  	v7 =	vperm.xlane v6, v1;
	_ =	sdelay $0x1  }
0xdd: {  	v6 =	vperm.xlane v6, v3;
	v7 =	vadd.s32 v2, v7;
	_ =	sdelay $0x1  }
0xde: {  	v6 =	vadd.s32 v2, v6;
	_ =	sdelay $0x2  }
0xdf: {  	[tilespmem:s18], [sflag:$0x3] =	stream.indirect_vreg.gather [hbm4b:s2+s3], $0x80, v7, vm0, $0xb8;
	[tilespmem:$0x1DC00] =	vst v63  }
0xe0: {  	s14 =	simm.s32 $0xD000  }
0xe1: {  	[tilespmem:s14], [sflag:$0x3] =	stream.indirect_vreg.gather [hbm4b:s2+s3], $0x80, v6, vm0, $0xb8;
	[tilespmem:$0x1DC00] =	vst v63  }
0xe2: {  	v6 =	vld [tilespmem:s9+$0x80];
	_ =	sdelay $0x4  }
0xe3: {  	v7 =	vshrl.u32 v6, $0x3  }
0xe4: {  	v7 =	vmul.u32 $0x18, v7  }
0xe5: {  	v6 =	vand.u32 $0x7, v6  }
0xe6: {  	v6 =	vor.u32 v6, v7  }
0xe7: {  	v7 =	vperm.xlane v6, v1;
	_ =	sdelay $0x1  }
0xe8: {  	v6 =	vperm.xlane v6, v3;
	v7 =	vadd.s32 v2, v7;
	_ =	sdelay $0x1  }
0xe9: {  	v6 =	vadd.s32 v2, v6;
	_ =	sdelay $0x1  }
0xea: {  	s13 =	simm.s32 $0xDC00  }
0xeb: {  	[tilespmem:s13], [sflag:$0x3] =	stream.indirect_vreg.gather [hbm4b:s2+s3], $0x80, v7, vm0, $0xb8;
	[tilespmem:$0x1DC00] =	vst v63  }
0xec: {  	s14 =	simm.s32 $0xE800  }
0xed: {  	[tilespmem:s14], [sflag:$0x3] =	stream.indirect_vreg.gather [hbm4b:s2+s3], $0x80, v6, vm0, $0xb8;
	[tilespmem:$0x1DC00] =	vst v63  }
0xee: {  	v6 =	vld [tilespmem:s9+$0x90];
	_ =	sdelay $0x4  }
0xef: {  	v7 =	vshrl.u32 v6, $0x3  }
0xf0: {  	v7 =	vmul.u32 $0x18, v7  }
0xf1: {  	v6 =	vand.u32 $0x7, v6  }
0xf2: {  	v6 =	vor.u32 v6, v7  }
0xf3: {  	v7 =	vperm.xlane v6, v1;
	_ =	sdelay $0x1  }
0xf4: {  	v6 =	vperm.xlane v6, v3;
	v7 =	vadd.s32 v2, v7;
	_ =	sdelay $0x1  }
0xf5: {  	v6 =	vadd.s32 v2, v6;
	_ =	sdelay $0x1  }
0xf6: {  	s13 =	simm.s32 $0xF400  }
0xf7: {  	[tilespmem:s13], [sflag:$0x3] =	stream.indirect_vreg.gather [hbm4b:s2+s3], $0x80, v7, vm0, $0xb8;
	[tilespmem:$0x1DC00] =	vst v63  }
0xf8: {  	s14 =	simm.s32 $0x10000  }
0xf9: {  	[tilespmem:s14], [sflag:$0x3] =	stream.indirect_vreg.gather [hbm4b:s2+s3], $0x80, v6, vm0, $0xb8;
	[tilespmem:$0x1DC00] =	vst v63  }
0xfa: {  	v6 =	vld.msk [tilespmem:s9+$0xA0], $0x3;
	_ =	sdelay $0x4  }
0xfb: {  	v7 =	vshrl.u32 v6, $0x3  }
0xfc: {  	v7 =	vmul.u32 $0x18, v7  }
0xfd: {  	v6 =	vand.u32 $0x7, v6  }
0xfe: {  	v6 =	vor.u32 v6, v7  }
0xff: {  	v6 =	vperm.xlane v6, v1;
	_ =	sdelay $0x1  }
0x100: {  	v6 =	vadd.s32 v2, v6;
	_ =	sdelay $0x3  }
0x101: {  	s13 =	simm.s32 $0x10C00  }
0x102: {  	[tilespmem:s13], [sflag:$0x3] =	stream.indirect_vreg.gather [hbm4b:s2+s3], $0x80, v6, vm1, $0xb8;
	[tilespmem:$0x1DC00] =	vst v63  }
0x103: {  	v6 =	vld [tilespmem:s9+$0x70];
	_ =	sdelay $0x4  }
0x104: {  	v7 =	vshrl.u32 v6, $0x3  }
0x105: {  	v7 =	vmul.u32 $0x18, v7  }
0x106: {  	v6 =	vand.u32 $0x7, v6  }
0x107: {  	v6 =	vor.u32 v6, v7  }
0x108: {  	v7 =	vperm.xlane v6, v1;
	_ =	sdelay $0x1  }
0x109: {  	v6 =	vperm.xlane v6, v3;
	v7 =	vadd.s32 v2, v7;
	_ =	sdelay $0x1  }
0x10a: {  	v6 =	vadd.s32 v2, v6;
	_ =	sdelay $0x1  }
0x10b: {  	s14 =	simm.s32 $0xC800  }
0x10c: {  	[tilespmem:s14], [sflag:$0x3] =	stream.indirect_vreg.gather [hbm4b:s8+s3], $0x80, v7, vm0, $0xb8;
	[tilespmem:$0x1DC00] =	vst v63  }
0x10d: {  	s13 =	simm.s32 $0xD400  }
0x10e: {  	[tilespmem:s13], [sflag:$0x3] =	stream.indirect_vreg.gather [hbm4b:s8+s3], $0x80, v6, vm0, $0xb8;
	[tilespmem:$0x1DC00] =	vst v63  }
0x10f: {  	v6 =	vld [tilespmem:s9+$0x80];
	_ =	sdelay $0x4  }
0x110: {  	v7 =	vshrl.u32 v6, $0x3  }
0x111: {  	v7 =	vmul.u32 $0x18, v7  }
0x112: {  	v6 =	vand.u32 $0x7, v6  }
0x113: {  	v6 =	vor.u32 v6, v7  }
0x114: {  	v7 =	vperm.xlane v6, v1;
	_ =	sdelay $0x1  }
0x115: {  	v6 =	vperm.xlane v6, v3;
	v7 =	vadd.s32 v2, v7;
	_ =	sdelay $0x1  }
0x116: {  	v6 =	vadd.s32 v2, v6;
	_ =	sdelay $0x1  }
0x117: {  	s14 =	simm.s32 $0xE000  }
0x118: {  	[tilespmem:s14], [sflag:$0x3] =	stream.indirect_vreg.gather [hbm4b:s8+s3], $0x80, v7, vm0, $0xb8;
	[tilespmem:$0x1DC00] =	vst v63  }
0x119: {  	s13 =	simm.s32 $0xEC00  }
0x11a: {  	[tilespmem:s13], [sflag:$0x3] =	stream.indirect_vreg.gather [hbm4b:s8+s3], $0x80, v6, vm0, $0xb8;
	[tilespmem:$0x1DC00] =	vst v63  }
0x11b: {  	v6 =	vld [tilespmem:s9+$0x90];
	_ =	sdelay $0x4  }
0x11c: {  	v7 =	vshrl.u32 v6, $0x3  }
0x11d: {  	v7 =	vmul.u32 $0x18, v7  }
0x11e: {  	v6 =	vand.u32 $0x7, v6  }
0x11f: {  	v6 =	vor.u32 v6, v7  }
0x120: {  	v7 =	vperm.xlane v6, v1;
	_ =	sdelay $0x1  }
0x121: {  	v6 =	vperm.xlane v6, v3;
	v7 =	vadd.s32 v2, v7;
	_ =	sdelay $0x1  }
0x122: {  	v6 =	vadd.s32 v2, v6;
	_ =	sdelay $0x1  }
0x123: {  	s14 =	simm.s32 $0xF800  }
0x124: {  	[tilespmem:s14], [sflag:$0x3] =	stream.indirect_vreg.gather [hbm4b:s8+s3], $0x80, v7, vm0, $0xb8;
	[tilespmem:$0x1DC00] =	vst v63  }
0x125: {  	s13 =	simm.s32 $0x10400  }
0x126: {  	[tilespmem:s13], [sflag:$0x3] =	stream.indirect_vreg.gather [hbm4b:s8+s3], $0x80, v6, vm0, $0xb8;
	[tilespmem:$0x1DC00] =	vst v63  }
0x127: {  	v6 =	vld.msk [tilespmem:s9+$0xA0], $0x3;
	_ =	sdelay $0x4  }
0x128: {  	v7 =	vshrl.u32 v6, $0x3  }
0x129: {  	v7 =	vmul.u32 $0x18, v7  }
0x12a: {  	v6 =	vand.u32 $0x7, v6  }
0x12b: {  	v6 =	vor.u32 v6, v7  }
0x12c: {  	v6 =	vperm.xlane v6, v1;
	_ =	sdelay $0x1  }
0x12d: {  	v6 =	vadd.s32 v2, v6;
	_ =	sdelay $0x3  }
0x12e: {  	s14 =	simm.s32 $0x11000  }
0x12f: {  	[tilespmem:s14], [sflag:$0x3] =	stream.indirect_vreg.gather [hbm4b:s8+s3], $0x80, v6, vm1, $0xb8;
	[tilespmem:$0x1DC00] =	vst v63  }
0x130: {  	s12 =	simm.s32 @!p0 $0x8;
	s13 =	sadd.s32 $0x70, s9;
	s14 =	simm.s32 $0x1A400  }
0x131: {  	[tilespmem:s14], [sflag:$0x3] =	stream.indirect.gather [hbm4b:s4+s25], $0x80, s13, s25, $0xb8;
	[tilespmem:$0x1DC00] =	vst v63  }
0x132: {  	_ =	swait.ge @!p0 [sflag:s12], $0x5400  }
0x133: {  	[sflag:s12] =	ssyncset.done @!p0 $0x0  }
0x134: {  	[sflag:s12] =	ssyncadd.s32 @!p0 $0xFFFFAC00  }
0x135: {  	v6 =	vld [tilespmem:s9+$0xA8];
	_ =	sdelay $0x4  }
0x136: {  	v7 =	vshrl.u32 v6, $0x3  }
0x137: {  	v7 =	vmul.u32 $0x18, v7  }
0x138: {  	v6 =	vand.u32 $0x7, v6  }
0x139: {  	v6 =	vor.u32 v6, v7  }
0x13a: {  	v7 =	vperm.xlane v6, v1;
	_ =	sdelay $0x1  }
0x13b: {  	v6 =	vperm.xlane v6, v3;
	v7 =	vadd.s32 v2, v7;
	_ =	sdelay $0x1  }
0x13c: {  	v6 =	vadd.s32 v2, v6;
	_ =	sdelay $0x1  }
0x13d: {  	s12 =	simm.s32 $0x0  }
0x13e: {  	[tilespmem:s10], [sflag:$0x4] =	stream.indirect_vreg.gather [hbm4b:s2+s12], $0x80, v7, vm0, $0xb8;
	[tilespmem:$0x1DC00] =	vst v63  }
0x13f: {  	s14 =	simm.s32 $0x12400  }
0x140: {  	[tilespmem:s14], [sflag:$0x4] =	stream.indirect_vreg.gather [hbm4b:s2+s12], $0x80, v6, vm0, $0xb8;
	[tilespmem:$0x1DC00] =	vst v63  }
0x141: {  	v6 =	vld [tilespmem:s9+$0xB8];
	_ =	sdelay $0x4  }
0x142: {  	v7 =	vshrl.u32 v6, $0x3  }
0x143: {  	v7 =	vmul.u32 $0x18, v7  }
0x144: {  	v6 =	vand.u32 $0x7, v6  }
0x145: {  	v6 =	vor.u32 v6, v7  }
0x146: {  	v7 =	vperm.xlane v6, v1;
	_ =	sdelay $0x1  }
0x147: {  	v6 =	vperm.xlane v6, v3;
	v7 =	vadd.s32 v2, v7;
	_ =	sdelay $0x1  }
0x148: {  	v6 =	vadd.s32 v2, v6;
	_ =	sdelay $0x1  }
0x149: {  	s14 =	simm.s32 $0x13000  }
0x14a: {  	[tilespmem:s14], [sflag:$0x4] =	stream.indirect_vreg.gather [hbm4b:s2+s12], $0x80, v7, vm0, $0xb8;
	[tilespmem:$0x1DC00] =	vst v63  }
0x14b: {  	s14 =	simm.s32 $0x13C00  }
0x14c: {  	[tilespmem:s14], [sflag:$0x4] =	stream.indirect_vreg.gather [hbm4b:s2+s12], $0x80, v6, vm0, $0xb8;
	[tilespmem:$0x1DC00] =	vst v63  }
0x14d: {  	v6 =	vld [tilespmem:s9+$0xC8];
	_ =	sdelay $0x4  }
0x14e: {  	v7 =	vshrl.u32 v6, $0x3  }
0x14f: {  	v7 =	vmul.u32 $0x18, v7  }
0x150: {  	v6 =	vand.u32 $0x7, v6  }
0x151: {  	v6 =	vor.u32 v6, v7  }
0x152: {  	v7 =	vperm.xlane v6, v1;
	_ =	sdelay $0x1  }
0x153: {  	v6 =	vperm.xlane v6, v3;
	v7 =	vadd.s32 v2, v7;
	_ =	sdelay $0x1  }
0x154: {  	v6 =	vadd.s32 v2, v6;
	_ =	sdelay $0x2  }
0x155: {  	[tilespmem:s15], [sflag:$0x4] =	stream.indirect_vreg.gather [hbm4b:s2+s12], $0x80, v7, vm0, $0xb8;
	[tilespmem:$0x1DC00] =	vst v63  }
0x156: {  	_ = 	snop  }
0x157: {  	[tilespmem:s16], [sflag:$0x4] =	stream.indirect_vreg.gather [hbm4b:s2+s12], $0x80, v6, vm0, $0xb8;
	[tilespmem:$0x1DC00] =	vst v63  }
0x158: {  	v6 =	vld.msk [tilespmem:s9+$0xD8], $0x3;
	_ =	sdelay $0x4  }
0x159: {  	v7 =	vshrl.u32 v6, $0x3  }
0x15a: {  	v7 =	vmul.u32 $0x18, v7  }
0x15b: {  	v6 =	vand.u32 $0x7, v6  }
0x15c: {  	v6 =	vor.u32 v6, v7  }
0x15d: {  	v6 =	vperm.xlane v6, v1;
	_ =	sdelay $0x1  }
0x15e: {  	v6 =	vadd.s32 v2, v6;
	_ =	sdelay $0x4  }
0x15f: {  	[tilespmem:s17], [sflag:$0x4] =	stream.indirect_vreg.gather [hbm4b:s2+s12], $0x80, v6, vm1, $0xb8;
	[tilespmem:$0x1DC00] =	vst v63  }
0x160: {  	v6 =	vld [tilespmem:s9+$0xA8];
	_ =	sdelay $0x4  }
0x161: {  	v7 =	vshrl.u32 v6, $0x3  }
0x162: {  	v7 =	vmul.u32 $0x18, v7  }
0x163: {  	v6 =	vand.u32 $0x7, v6  }
0x164: {  	v6 =	vor.u32 v6, v7  }
0x165: {  	v7 =	vperm.xlane v6, v1;
	_ =	sdelay $0x1  }
0x166: {  	v6 =	vperm.xlane v6, v3;
	v7 =	vadd.s32 v2, v7;
	_ =	sdelay $0x1  }
0x167: {  	v6 =	vadd.s32 v2, v6;
	_ =	sdelay $0x2  }
0x168: {  	[tilespmem:s19], [sflag:$0x4] =	stream.indirect_vreg.gather [hbm4b:s8+s12], $0x80, v7, vm0, $0xb8;
	[tilespmem:$0x1DC00] =	vst v63  }
0x169: {  	_ = 	snop  }
0x16a: {  	[tilespmem:s20], [sflag:$0x4] =	stream.indirect_vreg.gather [hbm4b:s8+s12], $0x80, v6, vm0, $0xb8;
	[tilespmem:$0x1DC00] =	vst v63  }
0x16b: {  	v6 =	vld [tilespmem:s9+$0xB8];
	_ =	sdelay $0x4  }
0x16c: {  	v7 =	vshrl.u32 v6, $0x3  }
0x16d: {  	v7 =	vmul.u32 $0x18, v7  }
0x16e: {  	v6 =	vand.u32 $0x7, v6  }
0x16f: {  	v6 =	vor.u32 v6, v7  }
0x170: {  	v7 =	vperm.xlane v6, v1;
	_ =	sdelay $0x1  }
0x171: {  	v6 =	vperm.xlane v6, v3;
	v7 =	vadd.s32 v2, v7;
	_ =	sdelay $0x1  }
0x172: {  	v6 =	vadd.s32 v2, v6;
	_ =	sdelay $0x2  }
0x173: {  	[tilespmem:s21], [sflag:$0x4] =	stream.indirect_vreg.gather [hbm4b:s8+s12], $0x80, v7, vm0, $0xb8;
	[tilespmem:$0x1DC00] =	vst v63  }
0x174: {  	_ = 	snop  }
0x175: {  	[tilespmem:s22], [sflag:$0x4] =	stream.indirect_vreg.gather [hbm4b:s8+s12], $0x80, v6, vm0, $0xb8;
	[tilespmem:$0x1DC00] =	vst v63  }
0x176: {  	v6 =	vld [tilespmem:s9+$0xC8];
	_ =	sdelay $0x4  }
0x177: {  	v7 =	vshrl.u32 v6, $0x3  }
0x178: {  	v7 =	vmul.u32 $0x18, v7  }
0x179: {  	v6 =	vand.u32 $0x7, v6  }
0x17a: {  	v6 =	vor.u32 v6, v7  }
0x17b: {  	v7 =	vperm.xlane v6, v1;
	_ =	sdelay $0x1  }
0x17c: {  	v6 =	vperm.xlane v6, v3;
	v7 =	vadd.s32 v2, v7;
	_ =	sdelay $0x1  }
0x17d: {  	v6 =	vadd.s32 v2, v6;
	_ =	sdelay $0x2  }
0x17e: {  	[tilespmem:s23], [sflag:$0x4] =	stream.indirect_vreg.gather [hbm4b:s8+s12], $0x80, v7, vm0, $0xb8;
	[tilespmem:$0x1DC00] =	vst v63  }
0x17f: {  	_ = 	snop  }
0x180: {  	[tilespmem:s24], [sflag:$0x4] =	stream.indirect_vreg.gather [hbm4b:s8+s12], $0x80, v6, vm0, $0xb8;
	[tilespmem:$0x1DC00] =	vst v63  }
0x181: {  	v6 =	vld.msk [tilespmem:s9+$0xD8], $0x3;
	_ =	sdelay $0x4  }
0x182: {  	v7 =	vshrl.u32 v6, $0x3  }
0x183: {  	v7 =	vmul.u32 $0x18, v7  }
0x184: {  	v6 =	vand.u32 $0x7, v6  }
0x185: {  	v6 =	vor.u32 v6, v7  }
0x186: {  	v6 =	vperm.xlane v6, v1;
	_ =	sdelay $0x1  }
0x187: {  	v6 =	vadd.s32 v2, v6;
	_ =	sdelay $0x4  }
0x188: {  	[tilespmem:s26], [sflag:$0x4] =	stream.indirect_vreg.gather [hbm4b:s8+s12], $0x80, v6, vm1, $0xb8;
	[tilespmem:$0x1DC00] =	vst v63  }
0x189: {  	s9 =	sadd.s32 $0xA8, s9  }
0x18a: {  	[tilespmem:s29], [sflag:$0x4] =	stream.indirect.gather [hbm4b:s4+s25], $0x80, s9, s25, $0xb8;
	[tilespmem:$0x1DC00] =	vst v63  }
0x18b: {  	_ =	swait.ge [sflag:s30], $0x1900  }
0x18c: {  	[sflag:s30] =	ssyncset.done $0x0  }
0x18d: {  	[sflag:s30] =	ssyncadd.s32 $0xFFFFE700  }
0x18e: {  	v6 =	vmov s12;
	_ =	swait.ge [sflag:s30], $0x1900  }
0x18f: {  	v7 =	vshrl.u32 v6, $0x3;
	[sflag:s30] =	ssyncset.done $0x0  }
0x190: {  	v6 =	vshll.u32 v6, $0x7;
	v7 =	vmul.u32 $0xC00, v7;
	[sflag:s30] =	ssyncadd.s32 $0xFFFFE700  }
0x191: {  	v6 =	vand.u32 $0x380, v6;
	_ =	swait.ge [sflag:s30], $0x1900  }
0x192: {  	v6 =	vor.u32 v6, v7;
	[sflag:s30] =	ssyncset.done $0x0  }
0x193: {  	s9 =	simm.s32 $0x16C20;
	v7 =	vadd.s32 $0x800, v6;
	[sflag:s30] =	ssyncadd.s32 $0xFFFFE700  }
0x194: {  	v9 =	vor.u32 v0, v7;
	v8 =	vld [tilespmem:s9+$0xFFFFFFE0]  }
0x195: {  	s14 =	simm.s32 $0x1;
	v11 =	vor.u32 v4, v7;
	v10 =	vld [tilespmem:s9+$0xFFFFFFF0]  }
0x196: {  	v12 =	vmov s14  }
0x197: {  	v13 =	vshrl.u32 v12, $0x3;
	v7 =	vor.u32 v5, v7;
	v6 =	vld [tilespmem:s9+$0x0]  }
0x198: {  	v12 =	vshll.u32 v12, $0x7;
	v13 =	vmul.u32 $0xC00, v13  }
0x199: {  	v12 =	vand.u32 $0x380, v12;
	[tilespmem:v9+s11+$0x0] =	vst.idx.msk $0xffff, v8  }
0x19a: {  	s13 =	simm.s32 $0x2;
	s12 =	sshll.u32 s7, $0x2;
	v8 =	vor.u32 v12, v13;
	[tilespmem:v11+s11+$0x0] =	vst.idx.msk $0xffff, v10  }
.LBB2_3:
0x19b: {  	p0 =	sne.s32 s13, $0x31  }
0x19c: {  	v8 =	vadd.s32 $0x800, v8;
	[tilespmem:v7+s11+$0x0] =	vst.idx.msk $0xfff, v6;
	s9 =	sadd.s32 $0x80, s9;
	s14 =	smov.u32 s13;
	s13 =	sadd.s32 $0x1, s13  }
0x19d: {  	v9 =	vld [tilespmem:s9+$0xFFFFFFE0];
	v10 =	vor.u32 v0, v8  }
0x19e: {  	v12 =	vor.u32 v4, v8;
	v11 =	vld [tilespmem:s9+$0xFFFFFFF0]  }
.Ltmp0:
0x19f: {  	v13 =	vmov s14;
	v7 =	vor.u32 v5, v8;
	v6 =	vld [tilespmem:s9+$0x0];
	(pc) =	sbr.rel @p0 .LBB2_3-.Ltmp0, $4  }
0x1a0: {  	v8 =	vshrl.u32 v13, $0x3;
	v13 =	vshll.u32 v13, $0x7  }
0x1a1: {  	v8 =	vmul.u32 $0xC00, v8  }
0x1a2: {  	v13 =	vand.u32 $0x380, v13;
	[tilespmem:v10+s11+$0x0] =	vst.idx.msk $0xffff, v9  }
0x1a3: {  	v8 =	vor.u32 v13, v8;
	[tilespmem:v12+s11+$0x0] =	vst.idx.msk $0xffff, v11  }
0x1a4: {  	_ =	sdelay $0x3  }
0x1a5: {  	v8 =	vadd.s32 $0x800, v8;
	[tilespmem:v7+s11+$0x0] =	vst.idx.msk $0xfff, v6;
	s9 =	sadd.s32 $0x80, s9  }
0x1a6: {  	v6 =	vld [tilespmem:s9+$0xFFFFFFE0];
	v7 =	vor.u32 v0, v8  }
0x1a7: {  	v9 =	vld [tilespmem:s9+$0xFFFFFFF0];
	v10 =	vor.u32 v4, v8  }
0x1a8: {  	v11 =	vld [tilespmem:s9+$0x0];
	v8 =	vor.u32 v5, v8;
	_ =	sdelay $0x1  }
0x1a9: {  	s9 =	sadd.s32 s6, s12  }
0x1aa: {  	s12 =	smul.u32 $0xA80, s9;
	[tilespmem:v7+s11+$0x0] =	vst.idx.msk $0xffff, v6  }
0x1ab: {  	[tilespmem:v10+s11+$0x0] =	vst.idx.msk $0xffff, v9  }
0x1ac: {  	s13 =	simm.s32 $0x0;
	s12 =	sadd.s32 s5, s12;
	[tilespmem:v8+s11+$0x0] =	vst.idx.msk $0xfff, v11  }
0x1ad: {  	[hbm4b:s12+s13] =	stream.linear.scatter [tilespmem:s11], [sflag:$0x5], $0x5400, $0x38;
	[tilespmem:$0x1DC00] =	vst v63  }
0x1ae: {  	_ =	swait.ge [sflag:s31], $0x1900  }
0x1af: {  	[sflag:s31] =	ssyncset.done $0x0  }
0x1b0: {  	[sflag:s31] =	ssyncadd.s32 $0xFFFFE700  }
0x1b1: {  	v6 =	vmov s13;
	_ =	swait.ge [sflag:s31], $0x1900  }
0x1b2: {  	v7 =	vshrl.u32 v6, $0x3;
	[sflag:s31] =	ssyncset.done $0x0  }
0x1b3: {  	v6 =	vshll.u32 v6, $0x7;
	v7 =	vmul.u32 $0xC00, v7;
	[sflag:s31] =	ssyncadd.s32 $0xFFFFE700  }
0x1b4: {  	v6 =	vand.u32 $0x380, v6;
	_ =	swait.ge [sflag:s31], $0x1900  }
0x1b5: {  	v6 =	vor.u32 v6, v7;
	[sflag:s31] =	ssyncset.done $0x0  }
0x1b6: {  	s12 =	simm.s32 $0x18820;
	v7 =	vadd.s32 $0x800, v6;
	[sflag:s31] =	ssyncadd.s32 $0xFFFFE700  }
0x1b7: {  	v9 =	vor.u32 v0, v7;
	v8 =	vld [tilespmem:s12+$0xFFFFFFE0]  }
0x1b8: {  	s14 =	simm.s32 $0x1;
	v11 =	vor.u32 v4, v7;
	v10 =	vld [tilespmem:s12+$0xFFFFFFF0]  }
0x1b9: {  	v12 =	vmov s14  }
0x1ba: {  	v13 =	vshrl.u32 v12, $0x3;
	v7 =	vor.u32 v5, v7;
	v6 =	vld [tilespmem:s12+$0x0]  }
0x1bb: {  	v12 =	vshll.u32 v12, $0x7;
	v13 =	vmul.u32 $0xC00, v13  }
0x1bc: {  	v12 =	vand.u32 $0x380, v12;
	[tilespmem:v9+s28+$0x0] =	vst.idx.msk $0xffff, v8  }
0x1bd: {  	s13 =	simm.s32 $0x2;
	v8 =	vor.u32 v12, v13;
	[tilespmem:v11+s28+$0x0] =	vst.idx.msk $0xffff, v10  }
.LBB2_5:
0x1be: {  	p0 =	sne.s32 s13, $0x31  }
0x1bf: {  	v8 =	vadd.s32 $0x800, v8;
	[tilespmem:v7+s28+$0x0] =	vst.idx.msk $0xfff, v6;
	s12 =	sadd.s32 $0x80, s12;
	s14 =	smov.u32 s13;
	s13 =	sadd.s32 $0x1, s13  }
0x1c0: {  	v9 =	vld [tilespmem:s12+$0xFFFFFFE0];
	v10 =	vor.u32 v0, v8  }
0x1c1: {  	v12 =	vor.u32 v4, v8;
	v11 =	vld [tilespmem:s12+$0xFFFFFFF0]  }
.Ltmp1:
0x1c2: {  	v13 =	vmov s14;
	v7 =	vor.u32 v5, v8;
	v6 =	vld [tilespmem:s12+$0x0];
	(pc) =	sbr.rel @p0 .LBB2_5-.Ltmp1, $4  }
0x1c3: {  	v8 =	vshrl.u32 v13, $0x3;
	v13 =	vshll.u32 v13, $0x7  }
0x1c4: {  	v8 =	vmul.u32 $0xC00, v8  }
0x1c5: {  	v13 =	vand.u32 $0x380, v13;
	[tilespmem:v10+s28+$0x0] =	vst.idx.msk $0xffff, v9  }
0x1c6: {  	v8 =	vor.u32 v13, v8;
	[tilespmem:v12+s28+$0x0] =	vst.idx.msk $0xffff, v11  }
0x1c7: {  	_ =	sdelay $0x3  }
0x1c8: {  	v8 =	vadd.s32 $0x800, v8;
	[tilespmem:v7+s28+$0x0] =	vst.idx.msk $0xfff, v6;
	s12 =	sadd.s32 $0x80, s12  }
0x1c9: {  	v6 =	vld [tilespmem:s12+$0xFFFFFFE0];
	v7 =	vor.u32 v0, v8  }
0x1ca: {  	v9 =	vld [tilespmem:s12+$0xFFFFFFF0];
	v10 =	vor.u32 v4, v8  }
0x1cb: {  	v11 =	vld [tilespmem:s12+$0x0];
	v8 =	vor.u32 v5, v8  }
0x1cc: {  	s9 =	smul.u32 $0x5400, s9;
	_ =	sdelay $0x1  }
0x1cd: {  	s9 =	sshrl.u32 s9, $0x3;
	[tilespmem:v7+s28+$0x0] =	vst.idx.msk $0xffff, v6  }
0x1ce: {  	s9 =	sadd.s32 s5, s9;
	[tilespmem:v10+s28+$0x0] =	vst.idx.msk $0xffff, v9  }
0x1cf: {  	s13 =	simm.s32 $0x0;
	s14 =	sadd.s32 $0xA80, s9;
	[tilespmem:v8+s28+$0x0] =	vst.idx.msk $0xfff, v11  }
0x1d0: {  	[hbm4b:s14+s13] =	stream.linear.scatter [tilespmem:s28], [sflag:$0x6], $0x5400, $0x38;
	[tilespmem:$0x1DC00] =	vst v63  }
0x1d1: {  	_ =	swait.ge [sflag:s1], $0x1900  }
0x1d2: {  	[sflag:s1] =	ssyncset.done $0x0  }
0x1d3: {  	[sflag:s1] =	ssyncadd.s32 $0xFFFFE700  }
0x1d4: {  	v6 =	vmov s13;
	_ =	swait.ge [sflag:s1], $0x1900  }
0x1d5: {  	v7 =	vshrl.u32 v6, $0x3;
	[sflag:s1] =	ssyncset.done $0x0  }
0x1d6: {  	v6 =	vshll.u32 v6, $0x7;
	v7 =	vmul.u32 $0xC00, v7;
	[sflag:s1] =	ssyncadd.s32 $0xFFFFE700  }
0x1d7: {  	v6 =	vand.u32 $0x380, v6;
	_ =	swait.ge [sflag:s1], $0x1900  }
0x1d8: {  	v6 =	vor.u32 v6, v7;
	[sflag:s1] =	ssyncset.done $0x0  }
0x1d9: {  	s12 =	simm.s32 $0x1A420;
	v7 =	vadd.s32 $0x800, v6;
	[sflag:s1] =	ssyncadd.s32 $0xFFFFE700  }
0x1da: {  	v9 =	vor.u32 v0, v7;
	v8 =	vld [tilespmem:s12+$0xFFFFFFE0]  }
0x1db: {  	s14 =	simm.s32 $0x1;
	v11 =	vor.u32 v4, v7;
	v10 =	vld [tilespmem:s12+$0xFFFFFFF0]  }
0x1dc: {  	v12 =	vmov s14  }
0x1dd: {  	v13 =	vshrl.u32 v12, $0x3;
	v7 =	vor.u32 v5, v7;
	v6 =	vld [tilespmem:s12+$0x0]  }
0x1de: {  	v12 =	vshll.u32 v12, $0x7;
	v13 =	vmul.u32 $0xC00, v13  }
0x1df: {  	v12 =	vand.u32 $0x380, v12;
	[tilespmem:v9+s18+$0x0] =	vst.idx.msk $0xffff, v8  }
0x1e0: {  	s13 =	simm.s32 $0x2;
	v8 =	vor.u32 v12, v13;
	[tilespmem:v11+s18+$0x0] =	vst.idx.msk $0xffff, v10  }
.LBB2_7:
0x1e1: {  	p0 =	sne.s32 s13, $0x31  }
0x1e2: {  	v8 =	vadd.s32 $0x800, v8;
	[tilespmem:v7+s18+$0x0] =	vst.idx.msk $0xfff, v6;
	s12 =	sadd.s32 $0x80, s12;
	s14 =	smov.u32 s13;
	s13 =	sadd.s32 $0x1, s13  }
0x1e3: {  	v9 =	vld [tilespmem:s12+$0xFFFFFFE0];
	v10 =	vor.u32 v0, v8  }
0x1e4: {  	v12 =	vor.u32 v4, v8;
	v11 =	vld [tilespmem:s12+$0xFFFFFFF0]  }
.Ltmp2:
0x1e5: {  	v13 =	vmov s14;
	v7 =	vor.u32 v5, v8;
	v6 =	vld [tilespmem:s12+$0x0];
	(pc) =	sbr.rel @p0 .LBB2_7-.Ltmp2, $4  }
0x1e6: {  	v8 =	vshrl.u32 v13, $0x3;
	v13 =	vshll.u32 v13, $0x7  }
0x1e7: {  	v8 =	vmul.u32 $0xC00, v8  }
0x1e8: {  	v13 =	vand.u32 $0x380, v13;
	[tilespmem:v10+s18+$0x0] =	vst.idx.msk $0xffff, v9  }
0x1e9: {  	v8 =	vor.u32 v13, v8;
	[tilespmem:v12+s18+$0x0] =	vst.idx.msk $0xffff, v11  }
0x1ea: {  	_ =	sdelay $0x3  }
0x1eb: {  	v8 =	vadd.s32 $0x800, v8;
	[tilespmem:v7+s18+$0x0] =	vst.idx.msk $0xfff, v6;
	s12 =	sadd.s32 $0x80, s12  }
0x1ec: {  	v6 =	vld [tilespmem:s12+$0xFFFFFFE0];
	v7 =	vor.u32 v0, v8  }
0x1ed: {  	v9 =	vld [tilespmem:s12+$0xFFFFFFF0];
	v10 =	vor.u32 v4, v8  }
0x1ee: {  	v11 =	vld [tilespmem:s12+$0x0];
	v8 =	vor.u32 v5, v8;
	_ =	sdelay $0x2  }
0x1ef: {  	[tilespmem:v7+s18+$0x0] =	vst.idx.msk $0xffff, v6  }
0x1f0: {  	[tilespmem:v10+s18+$0x0] =	vst.idx.msk $0xffff, v9  }
0x1f1: {  	s14 =	sadd.s32 $0x1500, s9;
	s13 =	simm.s32 $0x0;
	[tilespmem:v8+s18+$0x0] =	vst.idx.msk $0xfff, v11  }
0x1f2: {  	[hbm4b:s14+s13] =	stream.linear.scatter [tilespmem:s18], [sflag:$0x7], $0x5400, $0x38;
	[tilespmem:$0x1DC00] =	vst v63  }
0x1f3: {  	_ =	swait.ge [sflag:s0], $0x1900  }
0x1f4: {  	[sflag:s0] =	ssyncset.done $0x0  }
0x1f5: {  	[sflag:s0] =	ssyncadd.s32 $0xFFFFE700  }
0x1f6: {  	v6 =	vmov s13;
	_ =	swait.ge [sflag:s0], $0x1900  }
0x1f7: {  	v7 =	vshrl.u32 v6, $0x3;
	[sflag:s0] =	ssyncset.done $0x0  }
0x1f8: {  	v6 =	vshll.u32 v6, $0x7;
	v7 =	vmul.u32 $0xC00, v7;
	[sflag:s0] =	ssyncadd.s32 $0xFFFFE700  }
0x1f9: {  	v6 =	vand.u32 $0x380, v6;
	_ =	swait.ge [sflag:s0], $0x1900  }
0x1fa: {  	v6 =	vor.u32 v6, v7;
	[sflag:s0] =	ssyncset.done $0x0  }
0x1fb: {  	s12 =	simm.s32 $0x1C020;
	v7 =	vadd.s32 $0x800, v6;
	[sflag:s0] =	ssyncadd.s32 $0xFFFFE700  }
0x1fc: {  	v9 =	vor.u32 v0, v7;
	v8 =	vld [tilespmem:s12+$0xFFFFFFE0]  }
0x1fd: {  	s14 =	simm.s32 $0x1;
	v11 =	vor.u32 v4, v7;
	v10 =	vld [tilespmem:s12+$0xFFFFFFF0]  }
0x1fe: {  	v12 =	vmov s14  }
0x1ff: {  	v13 =	vshrl.u32 v12, $0x3;
	v7 =	vor.u32 v5, v7;
	v6 =	vld [tilespmem:s12+$0x0]  }
0x200: {  	v12 =	vshll.u32 v12, $0x7;
	v13 =	vmul.u32 $0xC00, v13  }
0x201: {  	v12 =	vand.u32 $0x380, v12;
	[tilespmem:v9+s10+$0x0] =	vst.idx.msk $0xffff, v8  }
0x202: {  	s13 =	simm.s32 $0x2;
	v8 =	vor.u32 v12, v13;
	[tilespmem:v11+s10+$0x0] =	vst.idx.msk $0xffff, v10  }
.LBB2_9:
0x203: {  	p0 =	sne.s32 s13, $0x31  }
0x204: {  	v8 =	vadd.s32 $0x800, v8;
	[tilespmem:v7+s10+$0x0] =	vst.idx.msk $0xfff, v6;
	s12 =	sadd.s32 $0x80, s12;
	s14 =	smov.u32 s13;
	s13 =	sadd.s32 $0x1, s13  }
0x205: {  	v9 =	vld [tilespmem:s12+$0xFFFFFFE0];
	v10 =	vor.u32 v0, v8  }
0x206: {  	v12 =	vor.u32 v4, v8;
	v11 =	vld [tilespmem:s12+$0xFFFFFFF0]  }
.Ltmp3:
0x207: {  	v13 =	vmov s14;
	v7 =	vor.u32 v5, v8;
	v6 =	vld [tilespmem:s12+$0x0];
	(pc) =	sbr.rel @p0 .LBB2_9-.Ltmp3, $4  }
0x208: {  	v8 =	vshrl.u32 v13, $0x3;
	v13 =	vshll.u32 v13, $0x7  }
0x209: {  	v8 =	vmul.u32 $0xC00, v8  }
0x20a: {  	v13 =	vand.u32 $0x380, v13;
	[tilespmem:v10+s10+$0x0] =	vst.idx.msk $0xffff, v9  }
0x20b: {  	v8 =	vor.u32 v13, v8;
	[tilespmem:v12+s10+$0x0] =	vst.idx.msk $0xffff, v11  }
0x20c: {  	_ =	sdelay $0x3  }
0x20d: {  	v8 =	vadd.s32 $0x800, v8;
	[tilespmem:v7+s10+$0x0] =	vst.idx.msk $0xfff, v6;
	s12 =	sadd.s32 $0x80, s12  }
0x20e: {  	v6 =	vld [tilespmem:s12+$0xFFFFFFE0];
	v7 =	vor.u32 v0, v8  }
0x20f: {  	v9 =	vld [tilespmem:s12+$0xFFFFFFF0];
	v10 =	vor.u32 v4, v8  }
0x210: {  	s7 =	sadd.s32 $0x1, s7;
	v11 =	vld [tilespmem:s12+$0x0];
	v8 =	vor.u32 v5, v8  }
0x211: {  	p0 =	sne.s32 s7, $0x20  }
.Ltmp4:
0x212: {  	_ = 	snop;
	(pc) =	sbr.rel @p0 .LBB2_2-.Ltmp4, $4  }
0x213: {  	[tilespmem:v7+s10+$0x0] =	vst.idx.msk $0xffff, v6  }
0x214: {  	[tilespmem:v10+s10+$0x0] =	vst.idx.msk $0xffff, v9  }
0x215: {  	s9 =	sadd.s32 $0x1F80, s9;
	[tilespmem:v8+s10+$0x0] =	vst.idx.msk $0xfff, v11  }
0x216: {  	[hbm4b:s9+s3] =	stream.linear.scatter [tilespmem:s10], [sflag:$0x8], $0x5400, $0x38;
	[tilespmem:$0x1DC00] =	vst v63  }
0x217: {  	s7 =	simm.s32 $0x5  }
0x218: {  	_ =	swait.ge [sflag:s7], $0x5400  }
0x219: {  	[sflag:s7] =	ssyncset.done $0x0  }
0x21a: {  	s12 =	simm.s32 $0x6;
	[sflag:s7] =	ssyncadd.s32 $0xFFFFAC00  }
0x21b: {  	_ =	swait.ge [sflag:s12], $0x5400  }
0x21c: {  	[sflag:s12] =	ssyncset.done $0x0  }
0x21d: {  	s13 =	simm.s32 $0x7;
	[sflag:s12] =	ssyncadd.s32 $0xFFFFAC00  }
0x21e: {  	_ =	swait.ge [sflag:s13], $0x5400  }
0x21f: {  	[sflag:s13] =	ssyncset.done $0x0  }
0x220: {  	s9 =	simm.s32 $0x8;
	[sflag:s13] =	ssyncadd.s32 $0xFFFFAC00  }
0x221: {  	_ =	swait.ge [sflag:s9], $0x5400  }
0x222: {  	s12 =	rddreg [dreg:$0x5]  }
0x223: {  	s14 =	rddreg [dreg:$0x4];
	s12 =	sadd.s32 $0x1, s12  }
0x224: {  	p0 =	sne.s32 s12, s14  }
.Ltmp5:
0x225: {  	_ = 	snop;
	(pc) =	sbr.rel @p0 .LBB2_1-.Ltmp5, $3  }
0x226: {  	_ =	sdelay $0x1  }
0x227: {  	[sflag:s9] =	ssyncset.done $0x0  }
0x228: {  	[sflag:s9] =	ssyncadd.s32 $0xFFFFAC00  }
0x229: {  	_ =	sfence.sel $0x180000  }
0x22a: {  	[bflag:$0x0] =	sbarrier.arrive $0xFFFF  }
0x22b: {  	_ =	strace $0x90000047  }
0x22c: {  	s0 =	stileid.u32;
	[bflag:$0x2] =	sbarrier.arrive $0xFFFF  }
0x22d: {  	p0 =	sne.s32 s0, $0x0;
	s0 =	rddreg [dreg:$0x2]  }
0x22e: {  	s0 =	sadd.s32 @!p0 $0x100000, s0  }
0x22f: {  	[sflag:s0] =	ssyncadd.tile.s32 @!p0 $0x1;
	_ =	shalt  }
.Lfunc_end2:
_tile_overlayer_lowered:
.L_overlay_start_2:
0x230: {  	(tag) =	ssettag $0x2  }
0x231: {  	s0 =	rddreg [dreg:$0x0];
	s2 =	stileid.u32  }
0x232: {  	s1 =	rddreg [dreg:$0x1];
	p0 =	sne.s32 s2, $0x0  }
0x233: {  	s3 =	rddreg [dreg:$0x2];
	[bflag:$0x3] =	sbarrier.arrive $0xFFFF;
	s2 =	simm.s32 @!p0 $0x1C09  }
0x234: {  	[timem:s3], [sflag:s2] =	dma.local @!p0 [hbm:s0], s1  }
0x235: {  	s0 =	simm.s32 @!p0 $0x9  }
0x236: {  	_ =	swait.ge @!p0 [sflag:s0], s1  }
0x237: {  	s1 =	ssub.s32 @!p0 $0x0, s1;
	[sflag:s0] =	ssyncset.done @!p0 $0x0  }
0x238: {  	[sflag:s0] =	ssyncadd.s32 @!p0 s1  }
0x239: {  	[bflag:$0x3] =	sbarrier.arrive $0xFFFF  }
0x23a: {  	_ =	shalt  }

</sc_bundles>
